<compile_context>
chip_gen: v7x
topology: tpu7x:2x2x1
jax: 0.10.2.dev20260603
libtpu: 0.0.44.dev20260713+nightly
codegen_flags: <defaults>
</compile_context>

<pallas_src>
import functools

import jax
import jax.numpy as jnp
from jax import lax
from jax.experimental import pallas as pl
from jax.experimental.pallas import tpu as pltpu
from jax.experimental.pallas import tpu_sc as plsc

N_V = 10000
F = 320000
NUM_EMB = 100
DIM = 128

NC = 2
NS = 16
NW = NC * NS

KCOLS = 128
SLAB = 10240
KROWS = SLAB // KCOLS
LAST_W = NW - 1
LAST_E = F - LAST_W * SLAB
LAST_ROWS = LAST_E // KCOLS

NBINS = 128
DST_PAD = 10240
CNT_PAD = DST_PAD * NBINS
CHUNK = CNT_PAD // NS
ZBUF = 8192

_mesh = plsc.VectorSubcoreMesh(core_axis_name="c", subcore_axis_name="s")


@functools.partial(
    pl.kernel,
    out_type=jax.ShapeDtypeStruct((NC * CNT_PAD,), jnp.float32),
    mesh=_mesh,
    compiler_params=pltpu.CompilerParams(needs_layout_passes=False),
    scratch_types=[
        pltpu.VMEM((N_V,), jnp.int32),
        pltpu.VMEM((2, SLAB), jnp.int32),
        pltpu.VMEM((KROWS, KCOLS), jnp.int32),
        pltpu.VMEM((KCOLS,), jnp.float32),
        pltpu.VMEM((ZBUF,), jnp.float32),
        pltpu.VMEM_SHARED((CNT_PAD,), jnp.float32),
        pltpu.SemaphoreType.DMA,
        pltpu.SemaphoreType.DMA,
    ],
)
def _hist_kernel(faces_hbm, vx_hbm, out_hbm,
                 vxv, slab, keys, ones_row, zbuf, hist, sem_in, sem_sc):
    cid = lax.axis_index("c")
    sid = lax.axis_index("s")
    wid = sid * NC + cid

    zeros16f = jnp.zeros((16,), jnp.float32)
    ones16f = jnp.ones((16,), jnp.float32)

    cp_vx = pltpu.async_copy(vx_hbm, vxv, sem_in)

    @pl.when(wid < LAST_W)
    def _load_full():
        pltpu.sync_copy(faces_hbm.at[:, pl.ds(wid * SLAB, SLAB)], slab)

    @pl.when(wid == LAST_W)
    def _load_rem():
        pltpu.sync_copy(faces_hbm.at[:, pl.ds(LAST_W * SLAB, LAST_E)],
                        slab.at[:, pl.ds(0, LAST_E)])

    for g in range(KCOLS // 16):
        ones_row[pl.ds(g * 16, 16)] = ones16f

    def _zero_zbuf(i, c):
        zbuf[pl.ds(i * 16, 16)] = zeros16f
        return c
    lax.fori_loop(0, ZBUF // 16, _zero_zbuf, 0)
    for j in range(CHUNK // ZBUF):
        pltpu.sync_copy(zbuf, hist.at[pl.ds(sid * CHUNK + j * ZBUF, ZBUF)])

    plsc.subcore_barrier()
    cp_vx.wait()

    nrows = jnp.where(wid == LAST_W, LAST_ROWS, KROWS)

    def _build(j, c):
        for g in range(KCOLS // 16):
            off = j * KCOLS + g * 16
            s16 = slab[0, pl.ds(off, 16)]
            d16 = slab[1, pl.ds(off, 16)]
            e16 = plsc.load_gather(vxv, [s16])
            keys[j, pl.ds(g * 16, 16)] = d16 * NBINS + e16
        pltpu.async_copy(ones_row, hist.at[keys.at[j]], sem_sc, add=True)
        return c
    lax.fori_loop(0, nrows, _build, 0)

    def _drain(j, c):
        pltpu.make_async_copy(ones_row, hist.at[keys.at[j]], sem_sc).wait()
        return c
    lax.fori_loop(0, nrows, _drain, 0)

    plsc.subcore_barrier()

    pltpu.sync_copy(hist.at[pl.ds(sid * CHUNK, CHUNK)],
                    out_hbm.at[pl.ds(cid * CNT_PAD + sid * CHUNK, CHUNK)])


_BLK = 1000

_DOT_DIMS = (((1,), (0,)), ((), ()))


def _tc_body(vx_in_ref, cnt_ref, tab_ref, vx_out_ref, ex_ref):
    tab = tab_ref[...]
    tab_hi = tab.astype(jnp.bfloat16)
    tab_lo = (tab - tab_hi.astype(jnp.float32)).astype(jnp.bfloat16)
    cnt = cnt_ref[0] + cnt_ref[1]
    cnt_hi = cnt.astype(jnp.bfloat16)
    cnt_lo = (cnt - cnt_hi.astype(jnp.float32)).astype(jnp.bfloat16)
    ex_ref[...] = (
        lax.dot_general(cnt_hi, tab_hi, _DOT_DIMS,
                        preferred_element_type=jnp.float32)
        + lax.dot_general(cnt_hi, tab_lo, _DOT_DIMS,
                          preferred_element_type=jnp.float32)
        + lax.dot_general(cnt_lo, tab_hi, _DOT_DIMS,
                          preferred_element_type=jnp.float32))
    ids = vx_in_ref[...]
    onehot = (ids == lax.broadcasted_iota(jnp.int32, (_BLK, NBINS), 1)
              ).astype(jnp.bfloat16)
    vx_out_ref[...] = (
        lax.dot_general(onehot, tab_hi, _DOT_DIMS,
                        preferred_element_type=jnp.float32)
        + lax.dot_general(onehot, tab_lo, _DOT_DIMS,
                          preferred_element_type=jnp.float32))


_tc_call = pl.pallas_call(
    _tc_body,
    grid=(N_V // _BLK,),
    in_specs=[
        pl.BlockSpec((_BLK, 1), lambda i: (i, 0)),
        pl.BlockSpec((NC, _BLK, NBINS), lambda i: (0, i, 0)),
        pl.BlockSpec((NBINS, DIM), lambda i: (0, 0)),
    ],
    out_specs=[
        pl.BlockSpec((_BLK, DIM), lambda i: (i, 0)),
        pl.BlockSpec((_BLK, DIM), lambda i: (i, 0)),
    ],
    out_shape=[
        jax.ShapeDtypeStruct((N_V, DIM), jnp.float32),
        jax.ShapeDtypeStruct((N_V, DIM), jnp.float32),
    ],
)


def kernel(v_x, face_index, v_embed_table):
    counts = _hist_kernel(face_index, jnp.squeeze(v_x, axis=-1))
    counts = counts.reshape(NC, DST_PAD, NBINS)
    tab_pad = jnp.pad(v_embed_table, ((0, NBINS - NUM_EMB), (0, 0)))
    vx, ex = _tc_call(v_x, counts, tab_pad)
    return (vx, ex)

# --- scband reference (transcript-rebuilt; emitter-appended) ---
"""Pipeline reference for scband-embed-vewith-reduce-26121991094593 (READ-ONLY COPY).

The authoritative reference and input builder live on the scoring server;
editing this copy changes nothing except your own understanding.
"""

import jax, jax.numpy as jnp
import numpy as np

N_V = 10000
F = 320000
NUM_EMB = 100
DIM = 128


def setup_inputs(seed: int = 0) -> dict:
    key = jax.random.key(seed)
    k1, k2, k3 = jax.random.split(key, 3)
    # vertex integer features, shape [N_V, 1], values in [0, NUM_EMB)
    v_x = jax.random.randint(k1, (N_V, 1), 0, NUM_EMB)
    # face_index: row 0 = source vertex index, row 1 = destination edge/cell index
    face_index = jax.random.randint(k2, (2, F), 0, N_V)
    # force the max segment id to N_V-1 so out_size is deterministic
    face_index = face_index.at[1, -1].set(N_V - 1)
    # learned embedding table for vertices (nn.Embedding(NUM_EMB, DIM))
    v_embed_table = jax.random.normal(k3, (NUM_EMB, DIM), dtype=jnp.float32)
    return {"v_x": v_x, "face_index": face_index, "v_embed_table": v_embed_table}


def reference(v_x, face_index, v_embed_table):
    # vx = self.v_embed_layer(v_params.x.squeeze().long())
    vx = jnp.take(v_embed_table, jnp.squeeze(v_x, axis=-1), axis=0)
    # InitReduceConv: gather vertex embeddings by face_index[0]
    features = jnp.take(vx, face_index[0], axis=0)
    # out_size = face_index[1].max() + 1; setup forces max to N_V - 1,
    # so out_size == N_V == v_x.shape[0], statically known
    out_size = v_x.shape[0]
    # scatter(..., reduce='add') -> segment_sum
    ex = jax.ops.segment_sum(features, face_index[1], num_segments=out_size)
    return (vx, ex)

if __name__ == "__main__":
    import jax
    _d = setup_inputs()
    print(jax.jit(kernel)(*tuple(_d.values())))

</pallas_src>

<mosaic_0001>
#map = affine_map<(d0, d1) -> (0, 0)>
#map1 = affine_map<(d0, d1) -> (0)>
module attributes {stable_mosaic.version = 14 : i64} {
  func.func @_hist_kernel(%arg0: i32, %arg1: i32, %arg2: memref<2x320000xi32, #tpu.memory_space<hbm>>, %arg3: memref<10000xi32, #tpu.memory_space<hbm>>, %arg4: memref<2621440xf32, #tpu.memory_space<hbm>>, %arg5: memref<10000xi32, #tpu.memory_space<vmem>>, %arg6: memref<2x10240xi32, #tpu.memory_space<vmem>>, %arg7: memref<80x128xi32, #tpu.memory_space<vmem>>, %arg8: memref<128xf32, #tpu.memory_space<vmem>>, %arg9: memref<8192xf32, #tpu.memory_space<vmem>>, %arg10: memref<1310720xf32, #tpu.memory_space<vmem_shared>>, %arg11: memref<!tpu.dma_semaphore, #tpu.memory_space<semaphore_mem>>, %arg12: memref<!tpu.dma_semaphore, #tpu.memory_space<semaphore_mem>>) attributes {dimension_semantics = [#tpu.dimension_semantics<core_parallel>, #tpu.dimension_semantics<subcore_parallel>], iteration_bounds = array<i64: 2, 16>, scalar_prefetch = 0 : i64, scratch_operands = 8 : i64, tpu.core_type = #tpu.core_type<sc_vector_subcore>, window_params = [{transform_indices = #map}, {transform_indices = #map1}, {transform_indices = #map1}]} {
    %mul3A = arith.constant 2 : i32
    %mul3A_0 = arith.muli %arg1, %mul3A : i32
    %add3A = arith.addi %mul3A_0, %arg0 : i32
    %broadcast_in_dim3A = arith.constant 0.000000e+00 : f32
    %broadcast_in_dim3A_1 = vector.broadcast %broadcast_in_dim3A : f32 to vector<16xf32>
    %broadcast_in_dim3A_2 = arith.constant 1.000000e+00 : f32
    %broadcast_in_dim3A_3 = vector.broadcast %broadcast_in_dim3A_2 : f32 to vector<16xf32>
    tpu.enqueue_dma source(%arg3 : memref<10000xi32, #tpu.memory_space<hbm>>) target(%arg5 : memref<10000xi32, #tpu.memory_space<vmem>>) target_semaphore(%arg11 : memref<!tpu.dma_semaphore, #tpu.memory_space<semaphore_mem>>)
    %lt3A = arith.constant 31 : i32
    %lt3A_4 = arith.cmpi slt, %add3A, %lt3A : i32
    %convert_element_type3A = arith.extui %lt3A_4 : i1 to i32
    %cond3A = arith.constant 0 : i32
    %cond3A_5 = arith.cmpi ne, %convert_element_type3A, %cond3A : i32
    scf.if %cond3A_5 {
      %mul3A_100 = arith.constant 10240 : i32
      %mul3A_101 = arith.muli %add3A, %mul3A_100 : i32
      "tpu.region"() ({
        %run_scoped3A = tpu.sem_alloc : memref<!tpu.dma_semaphore, #tpu.memory_space<semaphore_mem>>
        %dma_start3A = arith.constant 0 : i32
        %dma_start3A_102 = tpu.memref_slice %arg2[%dma_start3A, %mul3A_101] : memref<2x320000xi32, #tpu.memory_space<hbm>> -> memref<2x10240xi32, #tpu.memory_space<hbm>>
        %dma_start3A_103 = arith.constant 0 : i32
        %dma_start3A_104 = tpu.memref_slice %arg2[%dma_start3A_103, %mul3A_101] : memref<2x320000xi32, #tpu.memory_space<hbm>> -> memref<2x10240xi32, #tpu.memory_space<hbm>>
        tpu.enqueue_dma source(%dma_start3A_104 : memref<2x10240xi32, #tpu.memory_space<hbm>>) target(%arg6 : memref<2x10240xi32, #tpu.memory_space<vmem>>) target_semaphore(%run_scoped3A : memref<!tpu.dma_semaphore, #tpu.memory_space<semaphore_mem>>)
        %dma_wait3A = arith.constant 0 : i32
        %dma_wait3A_105 = tpu.memref_slice %arg2[%dma_wait3A, %mul3A_101] : memref<2x320000xi32, #tpu.memory_space<hbm>> -> memref<2x10240xi32, #tpu.memory_space<hbm>>
        %dma_wait3A_106 = arith.constant 0 : i32
        %dma_wait3A_107 = tpu.memref_slice %arg2[%dma_wait3A_106, %mul3A_101] : memref<2x320000xi32, #tpu.memory_space<hbm>> -> memref<2x10240xi32, #tpu.memory_space<hbm>>
        tpu.wait_dma2 semaphore(%run_scoped3A : memref<!tpu.dma_semaphore, #tpu.memory_space<semaphore_mem>>) src(%dma_wait3A_107 : memref<2x10240xi32, #tpu.memory_space<hbm>>) dst(%arg6 : memref<2x10240xi32, #tpu.memory_space<vmem>>)
        tpu.yield
      }) : () -> ()
    } else {
    }
    %eq3A = arith.constant 31 : i32
    %eq3A_6 = arith.cmpi eq, %add3A, %eq3A : i32
    %convert_element_type3A_7 = arith.extui %eq3A_6 : i1 to i32
    %cond3A_8 = arith.constant 0 : i32
    %cond3A_9 = arith.cmpi ne, %convert_element_type3A_7, %cond3A_8 : i32
    scf.if %cond3A_9 {
      "tpu.region"() ({
        %run_scoped3A = tpu.sem_alloc : memref<!tpu.dma_semaphore, #tpu.memory_space<semaphore_mem>>
        %dma_start3A = arith.constant 0 : i32
        %dma_start3A_100 = arith.constant 0 : i32
        %dma_start3A_101 = tpu.memref_slice %arg6[%dma_start3A, %dma_start3A_100] : memref<2x10240xi32, #tpu.memory_space<vmem>> -> memref<2x2560xi32, #tpu.memory_space<vmem>>
        %dma_start3A_102 = arith.constant 0 : i32
        %dma_start3A_103 = arith.constant 317440 : i32
        %dma_start3A_104 = tpu.memref_slice %arg2[%dma_start3A_102, %dma_start3A_103] : memref<2x320000xi32, #tpu.memory_space<hbm>> -> memref<2x2560xi32, #tpu.memory_space<hbm>>
        %dma_start3A_105 = arith.constant 0 : i32
        %dma_start3A_106 = arith.constant 0 : i32
        %dma_start3A_107 = tpu.memref_slice %arg6[%dma_start3A_105, %dma_start3A_106] : memref<2x10240xi32, #tpu.memory_space<vmem>> -> memref<2x2560xi32, #tpu.memory_space<vmem>>
        %dma_start3A_108 = arith.constant 0 : i32
        %dma_start3A_109 = arith.constant 317440 : i32
        %dma_start3A_110 = tpu.memref_slice %arg2[%dma_start3A_108, %dma_start3A_109] : memref<2x320000xi32, #tpu.memory_space<hbm>> -> memref<2x2560xi32, #tpu.memory_space<hbm>>
        tpu.enqueue_dma source(%dma_start3A_110 : memref<2x2560xi32, #tpu.memory_space<hbm>>) target(%dma_start3A_107 : memref<2x2560xi32, #tpu.memory_space<vmem>>) target_semaphore(%run_scoped3A : memref<!tpu.dma_semaphore, #tpu.memory_space<semaphore_mem>>)
        %dma_wait3A = arith.constant 0 : i32
        %dma_wait3A_111 = arith.constant 0 : i32
        %dma_wait3A_112 = tpu.memref_slice %arg6[%dma_wait3A, %dma_wait3A_111] : memref<2x10240xi32, #tpu.memory_space<vmem>> -> memref<2x2560xi32, #tpu.memory_space<vmem>>
        %dma_wait3A_113 = arith.constant 0 : i32
        %dma_wait3A_114 = arith.constant 317440 : i32
        %dma_wait3A_115 = tpu.memref_slice %arg2[%dma_wait3A_113, %dma_wait3A_114] : memref<2x320000xi32, #tpu.memory_space<hbm>> -> memref<2x2560xi32, #tpu.memory_space<hbm>>
        %dma_wait3A_116 = arith.constant 0 : i32
        %dma_wait3A_117 = arith.constant 0 : i32
        %dma_wait3A_118 = tpu.memref_slice %arg6[%dma_wait3A_116, %dma_wait3A_117] : memref<2x10240xi32, #tpu.memory_space<vmem>> -> memref<2x2560xi32, #tpu.memory_space<vmem>>
        %dma_wait3A_119 = arith.constant 0 : i32
        %dma_wait3A_120 = arith.constant 317440 : i32
        %dma_wait3A_121 = tpu.memref_slice %arg2[%dma_wait3A_119, %dma_wait3A_120] : memref<2x320000xi32, #tpu.memory_space<hbm>> -> memref<2x2560xi32, #tpu.memory_space<hbm>>
        tpu.wait_dma2 semaphore(%run_scoped3A : memref<!tpu.dma_semaphore, #tpu.memory_space<semaphore_mem>>) src(%dma_wait3A_121 : memref<2x2560xi32, #tpu.memory_space<hbm>>) dst(%dma_wait3A_118 : memref<2x2560xi32, #tpu.memory_space<vmem>>)
        tpu.yield
      }) : () -> ()
    } else {
    }
    %swap3A = arith.constant 0 : index
    %swap3A_10 = tpu.vector_load %arg8[%swap3A] {strides = array<i32>} : memref<128xf32, #tpu.memory_space<vmem>>, vector<16xf32>,
    tpu.vector_store %arg8[%swap3A], %broadcast_in_dim3A_3 {strides = array<i32>} : memref<128xf32, #tpu.memory_space<vmem>>, vector<16xf32>,
    %swap3A_11 = arith.constant 16 : index
    %swap3A_12 = tpu.vector_load %arg8[%swap3A_11] {strides = array<i32>} : memref<128xf32, #tpu.memory_space<vmem>>, vector<16xf32>,
    tpu.vector_store %arg8[%swap3A_11], %broadcast_in_dim3A_3 {strides = array<i32>} : memref<128xf32, #tpu.memory_space<vmem>>, vector<16xf32>,
    %swap3A_13 = arith.constant 32 : index
    %swap3A_14 = tpu.vector_load %arg8[%swap3A_13] {strides = array<i32>} : memref<128xf32, #tpu.memory_space<vmem>>, vector<16xf32>,
    tpu.vector_store %arg8[%swap3A_13], %broadcast_in_dim3A_3 {strides = array<i32>} : memref<128xf32, #tpu.memory_space<vmem>>, vector<16xf32>,
    %swap3A_15 = arith.constant 48 : index
    %swap3A_16 = tpu.vector_load %arg8[%swap3A_15] {strides = array<i32>} : memref<128xf32, #tpu.memory_space<vmem>>, vector<16xf32>,
    tpu.vector_store %arg8[%swap3A_15], %broadcast_in_dim3A_3 {strides = array<i32>} : memref<128xf32, #tpu.memory_space<vmem>>, vector<16xf32>,
    %swap3A_17 = arith.constant 64 : index
    %swap3A_18 = tpu.vector_load %arg8[%swap3A_17] {strides = array<i32>} : memref<128xf32, #tpu.memory_space<vmem>>, vector<16xf32>,
    tpu.vector_store %arg8[%swap3A_17], %broadcast_in_dim3A_3 {strides = array<i32>} : memref<128xf32, #tpu.memory_space<vmem>>, vector<16xf32>,
    %swap3A_19 = arith.constant 80 : index
    %swap3A_20 = tpu.vector_load %arg8[%swap3A_19] {strides = array<i32>} : memref<128xf32, #tpu.memory_space<vmem>>, vector<16xf32>,
    tpu.vector_store %arg8[%swap3A_19], %broadcast_in_dim3A_3 {strides = array<i32>} : memref<128xf32, #tpu.memory_space<vmem>>, vector<16xf32>,
    %swap3A_21 = arith.constant 96 : index
    %swap3A_22 = tpu.vector_load %arg8[%swap3A_21] {strides = array<i32>} : memref<128xf32, #tpu.memory_space<vmem>>, vector<16xf32>,
    tpu.vector_store %arg8[%swap3A_21], %broadcast_in_dim3A_3 {strides = array<i32>} : memref<128xf32, #tpu.memory_space<vmem>>, vector<16xf32>,
    %swap3A_23 = arith.constant 112 : index
    %swap3A_24 = tpu.vector_load %arg8[%swap3A_23] {strides = array<i32>} : memref<128xf32, #tpu.memory_space<vmem>>, vector<16xf32>,
    tpu.vector_store %arg8[%swap3A_23], %broadcast_in_dim3A_3 {strides = array<i32>} : memref<128xf32, #tpu.memory_space<vmem>>, vector<16xf32>,
    %scan3A = arith.constant 0 : i32
    %scan3A_25 = arith.constant 0 : i32
    %scan3A_26 = arith.constant 512 : i32
    %scan3A_27 = arith.addi %scan3A_25, %scan3A_26 : i32
    %scan3A_28 = arith.constant 1 : i32
    scf.for %scan3A_100 = %scan3A_25 to %scan3A_27 step %scan3A_28  : i32 {
      %mul3A_101 = arith.constant 16 : i32
      %mul3A_102 = arith.muli %scan3A_100, %mul3A_101 : i32
      %swap3A_103 = arith.index_cast %mul3A_102 : i32 to index
      %swap3A_104 = tpu.vector_load %arg9[%swap3A_103] {strides = array<i32>} : memref<8192xf32, #tpu.memory_space<vmem>>, vector<16xf32>,
      tpu.vector_store %arg9[%swap3A_103], %broadcast_in_dim3A_1 {strides = array<i32>} : memref<8192xf32, #tpu.memory_space<vmem>>, vector<16xf32>,
    }
    %scan3A_29 = arith.constant 512 : i32
    %mul3A_30 = arith.constant 81920 : i32
    %mul3A_31 = arith.muli %arg1, %mul3A_30 : i32
    %add3A_32 = arith.constant 0 : i32
    %add3A_33 = arith.addi %mul3A_31, %add3A_32 : i32
    "tpu.region"() ({
      %run_scoped3A = tpu.sem_alloc : memref<!tpu.dma_semaphore, #tpu.memory_space<semaphore_mem>>
      %dma_start3A = tpu.memref_slice %arg10[%add3A_33] : memref<1310720xf32, #tpu.memory_space<vmem_shared>> -> memref<8192xf32, #tpu.memory_space<vmem_shared>>
      %dma_start3A_100 = tpu.memref_slice %arg10[%add3A_33] : memref<1310720xf32, #tpu.memory_space<vmem_shared>> -> memref<8192xf32, #tpu.memory_space<vmem_shared>>
      tpu.enqueue_dma source(%arg9 : memref<8192xf32, #tpu.memory_space<vmem>>) target(%dma_start3A_100 : memref<8192xf32, #tpu.memory_space<vmem_shared>>) target_semaphore(%run_scoped3A : memref<!tpu.dma_semaphore, #tpu.memory_space<semaphore_mem>>)
      %dma_wait3A = tpu.memref_slice %arg10[%add3A_33] : memref<1310720xf32, #tpu.memory_space<vmem_shared>> -> memref<8192xf32, #tpu.memory_space<vmem_shared>>
      %dma_wait3A_101 = tpu.memref_slice %arg10[%add3A_33] : memref<1310720xf32, #tpu.memory_space<vmem_shared>> -> memref<8192xf32, #tpu.memory_space<vmem_shared>>
      tpu.wait_dma2 semaphore(%run_scoped3A : memref<!tpu.dma_semaphore, #tpu.memory_space<semaphore_mem>>) src(%arg9 : memref<8192xf32, #tpu.memory_space<vmem>>) dst(%dma_wait3A_101 : memref<8192xf32, #tpu.memory_space<vmem_shared>>)
      tpu.yield
    }) : () -> ()
    %mul3A_34 = arith.constant 81920 : i32
    %mul3A_35 = arith.muli %arg1, %mul3A_34 : i32
    %add3A_36 = arith.constant 8192 : i32
    %add3A_37 = arith.addi %mul3A_35, %add3A_36 : i32
    "tpu.region"() ({
      %run_scoped3A = tpu.sem_alloc : memref<!tpu.dma_semaphore, #tpu.memory_space<semaphore_mem>>
      %dma_start3A = tpu.memref_slice %arg10[%add3A_37] : memref<1310720xf32, #tpu.memory_space<vmem_shared>> -> memref<8192xf32, #tpu.memory_space<vmem_shared>>
      %dma_start3A_100 = tpu.memref_slice %arg10[%add3A_37] : memref<1310720xf32, #tpu.memory_space<vmem_shared>> -> memref<8192xf32, #tpu.memory_space<vmem_shared>>
      tpu.enqueue_dma source(%arg9 : memref<8192xf32, #tpu.memory_space<vmem>>) target(%dma_start3A_100 : memref<8192xf32, #tpu.memory_space<vmem_shared>>) target_semaphore(%run_scoped3A : memref<!tpu.dma_semaphore, #tpu.memory_space<semaphore_mem>>)
      %dma_wait3A = tpu.memref_slice %arg10[%add3A_37] : memref<1310720xf32, #tpu.memory_space<vmem_shared>> -> memref<8192xf32, #tpu.memory_space<vmem_shared>>
      %dma_wait3A_101 = tpu.memref_slice %arg10[%add3A_37] : memref<1310720xf32, #tpu.memory_space<vmem_shared>> -> memref<8192xf32, #tpu.memory_space<vmem_shared>>
      tpu.wait_dma2 semaphore(%run_scoped3A : memref<!tpu.dma_semaphore, #tpu.memory_space<semaphore_mem>>) src(%arg9 : memref<8192xf32, #tpu.memory_space<vmem>>) dst(%dma_wait3A_101 : memref<8192xf32, #tpu.memory_space<vmem_shared>>)
      tpu.yield
    }) : () -> ()
    %mul3A_38 = arith.constant 81920 : i32
    %mul3A_39 = arith.muli %arg1, %mul3A_38 : i32
    %add3A_40 = arith.constant 16384 : i32
    %add3A_41 = arith.addi %mul3A_39, %add3A_40 : i32
    "tpu.region"() ({
      %run_scoped3A = tpu.sem_alloc : memref<!tpu.dma_semaphore, #tpu.memory_space<semaphore_mem>>
      %dma_start3A = tpu.memref_slice %arg10[%add3A_41] : memref<1310720xf32, #tpu.memory_space<vmem_shared>> -> memref<8192xf32, #tpu.memory_space<vmem_shared>>
      %dma_start3A_100 = tpu.memref_slice %arg10[%add3A_41] : memref<1310720xf32, #tpu.memory_space<vmem_shared>> -> memref<8192xf32, #tpu.memory_space<vmem_shared>>
      tpu.enqueue_dma source(%arg9 : memref<8192xf32, #tpu.memory_space<vmem>>) target(%dma_start3A_100 : memref<8192xf32, #tpu.memory_space<vmem_shared>>) target_semaphore(%run_scoped3A : memref<!tpu.dma_semaphore, #tpu.memory_space<semaphore_mem>>)
      %dma_wait3A = tpu.memref_slice %arg10[%add3A_41] : memref<1310720xf32, #tpu.memory_space<vmem_shared>> -> memref<8192xf32, #tpu.memory_space<vmem_shared>>
      %dma_wait3A_101 = tpu.memref_slice %arg10[%add3A_41] : memref<1310720xf32, #tpu.memory_space<vmem_shared>> -> memref<8192xf32, #tpu.memory_space<vmem_shared>>
      tpu.wait_dma2 semaphore(%run_scoped3A : memref<!tpu.dma_semaphore, #tpu.memory_space<semaphore_mem>>) src(%arg9 : memref<8192xf32, #tpu.memory_space<vmem>>) dst(%dma_wait3A_101 : memref<8192xf32, #tpu.memory_space<vmem_shared>>)
      tpu.yield
    }) : () -> ()
    %mul3A_42 = arith.constant 81920 : i32
    %mul3A_43 = arith.muli %arg1, %mul3A_42 : i32
    %add3A_44 = arith.constant 24576 : i32
    %add3A_45 = arith.addi %mul3A_43, %add3A_44 : i32
    "tpu.region"() ({
      %run_scoped3A = tpu.sem_alloc : memref<!tpu.dma_semaphore, #tpu.memory_space<semaphore_mem>>
      %dma_start3A = tpu.memref_slice %arg10[%add3A_45] : memref<1310720xf32, #tpu.memory_space<vmem_shared>> -> memref<8192xf32, #tpu.memory_space<vmem_shared>>
      %dma_start3A_100 = tpu.memref_slice %arg10[%add3A_45] : memref<1310720xf32, #tpu.memory_space<vmem_shared>> -> memref<8192xf32, #tpu.memory_space<vmem_shared>>
      tpu.enqueue_dma source(%arg9 : memref<8192xf32, #tpu.memory_space<vmem>>) target(%dma_start3A_100 : memref<8192xf32, #tpu.memory_space<vmem_shared>>) target_semaphore(%run_scoped3A : memref<!tpu.dma_semaphore, #tpu.memory_space<semaphore_mem>>)
      %dma_wait3A = tpu.memref_slice %arg10[%add3A_45] : memref<1310720xf32, #tpu.memory_space<vmem_shared>> -> memref<8192xf32, #tpu.memory_space<vmem_shared>>
      %dma_wait3A_101 = tpu.memref_slice %arg10[%add3A_45] : memref<1310720xf32, #tpu.memory_space<vmem_shared>> -> memref<8192xf32, #tpu.memory_space<vmem_shared>>
      tpu.wait_dma2 semaphore(%run_scoped3A : memref<!tpu.dma_semaphore, #tpu.memory_space<semaphore_mem>>) src(%arg9 : memref<8192xf32, #tpu.memory_space<vmem>>) dst(%dma_wait3A_101 : memref<8192xf32, #tpu.memory_space<vmem_shared>>)
      tpu.yield
    }) : () -> ()
    %mul3A_46 = arith.constant 81920 : i32
    %mul3A_47 = arith.muli %arg1, %mul3A_46 : i32
    %add3A_48 = arith.constant 32768 : i32
    %add3A_49 = arith.addi %mul3A_47, %add3A_48 : i32
    "tpu.region"() ({
      %run_scoped3A = tpu.sem_alloc : memref<!tpu.dma_semaphore, #tpu.memory_space<semaphore_mem>>
      %dma_start3A = tpu.memref_slice %arg10[%add3A_49] : memref<1310720xf32, #tpu.memory_space<vmem_shared>> -> memref<8192xf32, #tpu.memory_space<vmem_shared>>
      %dma_start3A_100 = tpu.memref_slice %arg10[%add3A_49] : memref<1310720xf32, #tpu.memory_space<vmem_shared>> -> memref<8192xf32, #tpu.memory_space<vmem_shared>>
      tpu.enqueue_dma source(%arg9 : memref<8192xf32, #tpu.memory_space<vmem>>) target(%dma_start3A_100 : memref<8192xf32, #tpu.memory_space<vmem_shared>>) target_semaphore(%run_scoped3A : memref<!tpu.dma_semaphore, #tpu.memory_space<semaphore_mem>>)
      %dma_wait3A = tpu.memref_slice %arg10[%add3A_49] : memref<1310720xf32, #tpu.memory_space<vmem_shared>> -> memref<8192xf32, #tpu.memory_space<vmem_shared>>
      %dma_wait3A_101 = tpu.memref_slice %arg10[%add3A_49] : memref<1310720xf32, #tpu.memory_space<vmem_shared>> -> memref<8192xf32, #tpu.memory_space<vmem_shared>>
      tpu.wait_dma2 semaphore(%run_scoped3A : memref<!tpu.dma_semaphore, #tpu.memory_space<semaphore_mem>>) src(%arg9 : memref<8192xf32, #tpu.memory_space<vmem>>) dst(%dma_wait3A_101 : memref<8192xf32, #tpu.memory_space<vmem_shared>>)
      tpu.yield
    }) : () -> ()
    %mul3A_50 = arith.constant 81920 : i32
    %mul3A_51 = arith.muli %arg1, %mul3A_50 : i32
    %add3A_52 = arith.constant 40960 : i32
    %add3A_53 = arith.addi %mul3A_51, %add3A_52 : i32
    "tpu.region"() ({
      %run_scoped3A = tpu.sem_alloc : memref<!tpu.dma_semaphore, #tpu.memory_space<semaphore_mem>>
      %dma_start3A = tpu.memref_slice %arg10[%add3A_53] : memref<1310720xf32, #tpu.memory_space<vmem_shared>> -> memref<8192xf32, #tpu.memory_space<vmem_shared>>
      %dma_start3A_100 = tpu.memref_slice %arg10[%add3A_53] : memref<1310720xf32, #tpu.memory_space<vmem_shared>> -> memref<8192xf32, #tpu.memory_space<vmem_shared>>
      tpu.enqueue_dma source(%arg9 : memref<8192xf32, #tpu.memory_space<vmem>>) target(%dma_start3A_100 : memref<8192xf32, #tpu.memory_space<vmem_shared>>) target_semaphore(%run_scoped3A : memref<!tpu.dma_semaphore, #tpu.memory_space<semaphore_mem>>)
      %dma_wait3A = tpu.memref_slice %arg10[%add3A_53] : memref<1310720xf32, #tpu.memory_space<vmem_shared>> -> memref<8192xf32, #tpu.memory_space<vmem_shared>>
      %dma_wait3A_101 = tpu.memref_slice %arg10[%add3A_53] : memref<1310720xf32, #tpu.memory_space<vmem_shared>> -> memref<8192xf32, #tpu.memory_space<vmem_shared>>
      tpu.wait_dma2 semaphore(%run_scoped3A : memref<!tpu.dma_semaphore, #tpu.memory_space<semaphore_mem>>) src(%arg9 : memref<8192xf32, #tpu.memory_space<vmem>>) dst(%dma_wait3A_101 : memref<8192xf32, #tpu.memory_space<vmem_shared>>)
      tpu.yield
    }) : () -> ()
    %mul3A_54 = arith.constant 81920 : i32
    %mul3A_55 = arith.muli %arg1, %mul3A_54 : i32
    %add3A_56 = arith.constant 49152 : i32
    %add3A_57 = arith.addi %mul3A_55, %add3A_56 : i32
    "tpu.region"() ({
      %run_scoped3A = tpu.sem_alloc : memref<!tpu.dma_semaphore, #tpu.memory_space<semaphore_mem>>
      %dma_start3A = tpu.memref_slice %arg10[%add3A_57] : memref<1310720xf32, #tpu.memory_space<vmem_shared>> -> memref<8192xf32, #tpu.memory_space<vmem_shared>>
      %dma_start3A_100 = tpu.memref_slice %arg10[%add3A_57] : memref<1310720xf32, #tpu.memory_space<vmem_shared>> -> memref<8192xf32, #tpu.memory_space<vmem_shared>>
      tpu.enqueue_dma source(%arg9 : memref<8192xf32, #tpu.memory_space<vmem>>) target(%dma_start3A_100 : memref<8192xf32, #tpu.memory_space<vmem_shared>>) target_semaphore(%run_scoped3A : memref<!tpu.dma_semaphore, #tpu.memory_space<semaphore_mem>>)
      %dma_wait3A = tpu.memref_slice %arg10[%add3A_57] : memref<1310720xf32, #tpu.memory_space<vmem_shared>> -> memref<8192xf32, #tpu.memory_space<vmem_shared>>
      %dma_wait3A_101 = tpu.memref_slice %arg10[%add3A_57] : memref<1310720xf32, #tpu.memory_space<vmem_shared>> -> memref<8192xf32, #tpu.memory_space<vmem_shared>>
      tpu.wait_dma2 semaphore(%run_scoped3A : memref<!tpu.dma_semaphore, #tpu.memory_space<semaphore_mem>>) src(%arg9 : memref<8192xf32, #tpu.memory_space<vmem>>) dst(%dma_wait3A_101 : memref<8192xf32, #tpu.memory_space<vmem_shared>>)
      tpu.yield
    }) : () -> ()
    %mul3A_58 = arith.constant 81920 : i32
    %mul3A_59 = arith.muli %arg1, %mul3A_58 : i32
    %add3A_60 = arith.constant 57344 : i32
    %add3A_61 = arith.addi %mul3A_59, %add3A_60 : i32
    "tpu.region"() ({
      %run_scoped3A = tpu.sem_alloc : memref<!tpu.dma_semaphore, #tpu.memory_space<semaphore_mem>>
      %dma_start3A = tpu.memref_slice %arg10[%add3A_61] : memref<1310720xf32, #tpu.memory_space<vmem_shared>> -> memref<8192xf32, #tpu.memory_space<vmem_shared>>
      %dma_start3A_100 = tpu.memref_slice %arg10[%add3A_61] : memref<1310720xf32, #tpu.memory_space<vmem_shared>> -> memref<8192xf32, #tpu.memory_space<vmem_shared>>
      tpu.enqueue_dma source(%arg9 : memref<8192xf32, #tpu.memory_space<vmem>>) target(%dma_start3A_100 : memref<8192xf32, #tpu.memory_space<vmem_shared>>) target_semaphore(%run_scoped3A : memref<!tpu.dma_semaphore, #tpu.memory_space<semaphore_mem>>)
      %dma_wait3A = tpu.memref_slice %arg10[%add3A_61] : memref<1310720xf32, #tpu.memory_space<vmem_shared>> -> memref<8192xf32, #tpu.memory_space<vmem_shared>>
      %dma_wait3A_101 = tpu.memref_slice %arg10[%add3A_61] : memref<1310720xf32, #tpu.memory_space<vmem_shared>> -> memref<8192xf32, #tpu.memory_space<vmem_shared>>
      tpu.wait_dma2 semaphore(%run_scoped3A : memref<!tpu.dma_semaphore, #tpu.memory_space<semaphore_mem>>) src(%arg9 : memref<8192xf32, #tpu.memory_space<vmem>>) dst(%dma_wait3A_101 : memref<8192xf32, #tpu.memory_space<vmem_shared>>)
      tpu.yield
    }) : () -> ()
    %mul3A_62 = arith.constant 81920 : i32
    %mul3A_63 = arith.muli %arg1, %mul3A_62 : i32
    %add3A_64 = arith.constant 65536 : i32
    %add3A_65 = arith.addi %mul3A_63, %add3A_64 : i32
    "tpu.region"() ({
      %run_scoped3A = tpu.sem_alloc : memref<!tpu.dma_semaphore, #tpu.memory_space<semaphore_mem>>
      %dma_start3A = tpu.memref_slice %arg10[%add3A_65] : memref<1310720xf32, #tpu.memory_space<vmem_shared>> -> memref<8192xf32, #tpu.memory_space<vmem_shared>>
      %dma_start3A_100 = tpu.memref_slice %arg10[%add3A_65] : memref<1310720xf32, #tpu.memory_space<vmem_shared>> -> memref<8192xf32, #tpu.memory_space<vmem_shared>>
      tpu.enqueue_dma source(%arg9 : memref<8192xf32, #tpu.memory_space<vmem>>) target(%dma_start3A_100 : memref<8192xf32, #tpu.memory_space<vmem_shared>>) target_semaphore(%run_scoped3A : memref<!tpu.dma_semaphore, #tpu.memory_space<semaphore_mem>>)
      %dma_wait3A = tpu.memref_slice %arg10[%add3A_65] : memref<1310720xf32, #tpu.memory_space<vmem_shared>> -> memref<8192xf32, #tpu.memory_space<vmem_shared>>
      %dma_wait3A_101 = tpu.memref_slice %arg10[%add3A_65] : memref<1310720xf32, #tpu.memory_space<vmem_shared>> -> memref<8192xf32, #tpu.memory_space<vmem_shared>>
      tpu.wait_dma2 semaphore(%run_scoped3A : memref<!tpu.dma_semaphore, #tpu.memory_space<semaphore_mem>>) src(%arg9 : memref<8192xf32, #tpu.memory_space<vmem>>) dst(%dma_wait3A_101 : memref<8192xf32, #tpu.memory_space<vmem_shared>>)
      tpu.yield
    }) : () -> ()
    %mul3A_66 = arith.constant 81920 : i32
    %mul3A_67 = arith.muli %arg1, %mul3A_66 : i32
    %add3A_68 = arith.constant 73728 : i32
    %add3A_69 = arith.addi %mul3A_67, %add3A_68 : i32
    "tpu.region"() ({
      %run_scoped3A = tpu.sem_alloc : memref<!tpu.dma_semaphore, #tpu.memory_space<semaphore_mem>>
      %dma_start3A = tpu.memref_slice %arg10[%add3A_69] : memref<1310720xf32, #tpu.memory_space<vmem_shared>> -> memref<8192xf32, #tpu.memory_space<vmem_shared>>
      %dma_start3A_100 = tpu.memref_slice %arg10[%add3A_69] : memref<1310720xf32, #tpu.memory_space<vmem_shared>> -> memref<8192xf32, #tpu.memory_space<vmem_shared>>
      tpu.enqueue_dma source(%arg9 : memref<8192xf32, #tpu.memory_space<vmem>>) target(%dma_start3A_100 : memref<8192xf32, #tpu.memory_space<vmem_shared>>) target_semaphore(%run_scoped3A : memref<!tpu.dma_semaphore, #tpu.memory_space<semaphore_mem>>)
      %dma_wait3A = tpu.memref_slice %arg10[%add3A_69] : memref<1310720xf32, #tpu.memory_space<vmem_shared>> -> memref<8192xf32, #tpu.memory_space<vmem_shared>>
      %dma_wait3A_101 = tpu.memref_slice %arg10[%add3A_69] : memref<1310720xf32, #tpu.memory_space<vmem_shared>> -> memref<8192xf32, #tpu.memory_space<vmem_shared>>
      tpu.wait_dma2 semaphore(%run_scoped3A : memref<!tpu.dma_semaphore, #tpu.memory_space<semaphore_mem>>) src(%arg9 : memref<8192xf32, #tpu.memory_space<vmem>>) dst(%dma_wait3A_101 : memref<8192xf32, #tpu.memory_space<vmem_shared>>)
      tpu.yield
    }) : () -> ()
    %barrier3A = arith.constant 0 : index
    tpu.barrier barrier_id(%barrier3A)
    tpu.wait_dma2 semaphore(%arg11 : memref<!tpu.dma_semaphore, #tpu.memory_space<semaphore_mem>>) src(%arg3 : memref<10000xi32, #tpu.memory_space<hbm>>) dst(%arg5 : memref<10000xi32, #tpu.memory_space<vmem>>)
    %eq3A_70 = arith.constant 31 : i32
    %eq3A_71 = arith.cmpi eq, %add3A, %eq3A_70 : i32
    %jit3A = arith.constant 20 : i32
    %jit3A_72 = arith.constant 80 : i32
    %select_n3A = arith.select %eq3A_71, %jit3A, %jit3A_72 : i32
    %while3A = arith.constant 0 : i32
    %while3A_73 = arith.constant 0 : i32
    %while3A_74 = arith.subi %select_n3A, %while3A_73 : i32
    %while3A_75 = arith.addi %while3A_73, %while3A_74 : i32
    %while3A_76 = arith.constant 1 : i32
    %while3A_77 = arith.divsi %while3A_74, %while3A_76 : i32
    %while3A_78 = arith.muli %while3A_77, %while3A_76 : i32
    %while3A_79 = arith.addi %while3A_73, %while3A_78 : i32
    %while3A_80 = arith.constant 1 : i32
    scf.for %while3A_100 = %while3A_73 to %while3A_79 step %while3A_80  : i32 {
      %mul3A_101 = arith.constant 128 : i32
      %mul3A_102 = arith.muli %while3A_100, %mul3A_101 : i32
      %add3A_103 = arith.constant 0 : i32
      %add3A_104 = arith.addi %mul3A_102, %add3A_103 : i32
      %get3A = arith.constant 0 : i32
      %get3A_105 = arith.index_cast %get3A : i32 to index
      %get3A_106 = arith.index_cast %add3A_104 : i32 to index
      %get3A_107 = tpu.vector_load %arg6[%get3A_105, %get3A_106] {strides = array<i32>} : memref<2x10240xi32, #tpu.memory_space<vmem>>, vector<16xi32>,
      %get3A_108 = arith.constant 1 : i32
      %get3A_109 = arith.index_cast %get3A_108 : i32 to index
      %get3A_110 = arith.index_cast %add3A_104 : i32 to index
      %get3A_111 = tpu.vector_load %arg6[%get3A_109, %get3A_110] {strides = array<i32>} : memref<2x10240xi32, #tpu.memory_space<vmem>>, vector<16xi32>,
      %gather3A = tpu.vector_load_idx %arg5[%get3A_107] : memref<10000xi32, #tpu.memory_space<vmem>>[vector<16xi32>], vector<16xi32>,
      %mul3A_112 = arith.constant 128 : i32
      %mul3A_113 = vector.broadcast %mul3A_112 : i32 to vector<16xi32>
      %mul3A_114 = arith.muli %get3A_111, %mul3A_113 : vector<16xi32>
      %add3A_115 = arith.addi %mul3A_114, %gather3A : vector<16xi32>
      %swap3A_116 = arith.index_cast %while3A_100 : i32 to index
      %swap3A_117 = arith.constant 0 : index
      %swap3A_118 = tpu.vector_load %arg7[%swap3A_116, %swap3A_117] {strides = array<i32>} : memref<80x128xi32, #tpu.memory_space<vmem>>, vector<16xi32>,
      tpu.vector_store %arg7[%swap3A_116, %swap3A_117], %add3A_115 {strides = array<i32>} : memref<80x128xi32, #tpu.memory_space<vmem>>, vector<16xi32>,
      %mul3A_119 = arith.constant 128 : i32
      %mul3A_120 = arith.muli %while3A_100, %mul3A_119 : i32
      %add3A_121 = arith.constant 16 : i32
      %add3A_122 = arith.addi %mul3A_120, %add3A_121 : i32
      %get3A_123 = arith.constant 0 : i32
      %get3A_124 = arith.index_cast %get3A_123 : i32 to index
      %get3A_125 = arith.index_cast %add3A_122 : i32 to index
      %get3A_126 = tpu.vector_load %arg6[%get3A_124, %get3A_125] {strides = array<i32>} : memref<2x10240xi32, #tpu.memory_space<vmem>>, vector<16xi32>,
      %get3A_127 = arith.constant 1 : i32
      %get3A_128 = arith.index_cast %get3A_127 : i32 to index
      %get3A_129 = arith.index_cast %add3A_122 : i32 to index
      %get3A_130 = tpu.vector_load %arg6[%get3A_128, %get3A_129] {strides = array<i32>} : memref<2x10240xi32, #tpu.memory_space<vmem>>, vector<16xi32>,
      %gather3A_131 = tpu.vector_load_idx %arg5[%get3A_126] : memref<10000xi32, #tpu.memory_space<vmem>>[vector<16xi32>], vector<16xi32>,
      %mul3A_132 = arith.constant 128 : i32
      %mul3A_133 = vector.broadcast %mul3A_132 : i32 to vector<16xi32>
      %mul3A_134 = arith.muli %get3A_130, %mul3A_133 : vector<16xi32>
      %add3A_135 = arith.addi %mul3A_134, %gather3A_131 : vector<16xi32>
      %swap3A_136 = arith.index_cast %while3A_100 : i32 to index
      %swap3A_137 = arith.constant 16 : index
      %swap3A_138 = tpu.vector_load %arg7[%swap3A_136, %swap3A_137] {strides = array<i32>} : memref<80x128xi32, #tpu.memory_space<vmem>>, vector<16xi32>,
      tpu.vector_store %arg7[%swap3A_136, %swap3A_137], %add3A_135 {strides = array<i32>} : memref<80x128xi32, #tpu.memory_space<vmem>>, vector<16xi32>,
      %mul3A_139 = arith.constant 128 : i32
      %mul3A_140 = arith.muli %while3A_100, %mul3A_139 : i32
      %add3A_141 = arith.constant 32 : i32
      %add3A_142 = arith.addi %mul3A_140, %add3A_141 : i32
      %get3A_143 = arith.constant 0 : i32
      %get3A_144 = arith.index_cast %get3A_143 : i32 to index
      %get3A_145 = arith.index_cast %add3A_142 : i32 to index
      %get3A_146 = tpu.vector_load %arg6[%get3A_144, %get3A_145] {strides = array<i32>} : memref<2x10240xi32, #tpu.memory_space<vmem>>, vector<16xi32>,
      %get3A_147 = arith.constant 1 : i32
      %get3A_148 = arith.index_cast %get3A_147 : i32 to index
      %get3A_149 = arith.index_cast %add3A_142 : i32 to index
      %get3A_150 = tpu.vector_load %arg6[%get3A_148, %get3A_149] {strides = array<i32>} : memref<2x10240xi32, #tpu.memory_space<vmem>>, vector<16xi32>,
      %gather3A_151 = tpu.vector_load_idx %arg5[%get3A_146] : memref<10000xi32, #tpu.memory_space<vmem>>[vector<16xi32>], vector<16xi32>,
      %mul3A_152 = arith.constant 128 : i32
      %mul3A_153 = vector.broadcast %mul3A_152 : i32 to vector<16xi32>
      %mul3A_154 = arith.muli %get3A_150, %mul3A_153 : vector<16xi32>
      %add3A_155 = arith.addi %mul3A_154, %gather3A_151 : vector<16xi32>
      %swap3A_156 = arith.index_cast %while3A_100 : i32 to index
      %swap3A_157 = arith.constant 32 : index
      %swap3A_158 = tpu.vector_load %arg7[%swap3A_156, %swap3A_157] {strides = array<i32>} : memref<80x128xi32, #tpu.memory_space<vmem>>, vector<16xi32>,
      tpu.vector_store %arg7[%swap3A_156, %swap3A_157], %add3A_155 {strides = array<i32>} : memref<80x128xi32, #tpu.memory_space<vmem>>, vector<16xi32>,
      %mul3A_159 = arith.constant 128 : i32
      %mul3A_160 = arith.muli %while3A_100, %mul3A_159 : i32
      %add3A_161 = arith.constant 48 : i32
      %add3A_162 = arith.addi %mul3A_160, %add3A_161 : i32
      %get3A_163 = arith.constant 0 : i32
      %get3A_164 = arith.index_cast %get3A_163 : i32 to index
      %get3A_165 = arith.index_cast %add3A_162 : i32 to index
      %get3A_166 = tpu.vector_load %arg6[%get3A_164, %get3A_165] {strides = array<i32>} : memref<2x10240xi32, #tpu.memory_space<vmem>>, vector<16xi32>,
      %get3A_167 = arith.constant 1 : i32
      %get3A_168 = arith.index_cast %get3A_167 : i32 to index
      %get3A_169 = arith.index_cast %add3A_162 : i32 to index
      %get3A_170 = tpu.vector_load %arg6[%get3A_168, %get3A_169] {strides = array<i32>} : memref<2x10240xi32, #tpu.memory_space<vmem>>, vector<16xi32>,
      %gather3A_171 = tpu.vector_load_idx %arg5[%get3A_166] : memref<10000xi32, #tpu.memory_space<vmem>>[vector<16xi32>], vector<16xi32>,
      %mul3A_172 = arith.constant 128 : i32
      %mul3A_173 = vector.broadcast %mul3A_172 : i32 to vector<16xi32>
      %mul3A_174 = arith.muli %get3A_170, %mul3A_173 : vector<16xi32>
      %add3A_175 = arith.addi %mul3A_174, %gather3A_171 : vector<16xi32>
      %swap3A_176 = arith.index_cast %while3A_100 : i32 to index
      %swap3A_177 = arith.constant 48 : index
      %swap3A_178 = tpu.vector_load %arg7[%swap3A_176, %swap3A_177] {strides = array<i32>} : memref<80x128xi32, #tpu.memory_space<vmem>>, vector<16xi32>,
      tpu.vector_store %arg7[%swap3A_176, %swap3A_177], %add3A_175 {strides = array<i32>} : memref<80x128xi32, #tpu.memory_space<vmem>>, vector<16xi32>,
      %mul3A_179 = arith.constant 128 : i32
      %mul3A_180 = arith.muli %while3A_100, %mul3A_179 : i32
      %add3A_181 = arith.constant 64 : i32
      %add3A_182 = arith.addi %mul3A_180, %add3A_181 : i32
      %get3A_183 = arith.constant 0 : i32
      %get3A_184 = arith.index_cast %get3A_183 : i32 to index
      %get3A_185 = arith.index_cast %add3A_182 : i32 to index
      %get3A_186 = tpu.vector_load %arg6[%get3A_184, %get3A_185] {strides = array<i32>} : memref<2x10240xi32, #tpu.memory_space<vmem>>, vector<16xi32>,
      %get3A_187 = arith.constant 1 : i32
      %get3A_188 = arith.index_cast %get3A_187 : i32 to index
      %get3A_189 = arith.index_cast %add3A_182 : i32 to index
      %get3A_190 = tpu.vector_load %arg6[%get3A_188, %get3A_189] {strides = array<i32>} : memref<2x10240xi32, #tpu.memory_space<vmem>>, vector<16xi32>,
      %gather3A_191 = tpu.vector_load_idx %arg5[%get3A_186] : memref<10000xi32, #tpu.memory_space<vmem>>[vector<16xi32>], vector<16xi32>,
      %mul3A_192 = arith.constant 128 : i32
      %mul3A_193 = vector.broadcast %mul3A_192 : i32 to vector<16xi32>
      %mul3A_194 = arith.muli %get3A_190, %mul3A_193 : vector<16xi32>
      %add3A_195 = arith.addi %mul3A_194, %gather3A_191 : vector<16xi32>
      %swap3A_196 = arith.index_cast %while3A_100 : i32 to index
      %swap3A_197 = arith.constant 64 : index
      %swap3A_198 = tpu.vector_load %arg7[%swap3A_196, %swap3A_197] {strides = array<i32>} : memref<80x128xi32, #tpu.memory_space<vmem>>, vector<16xi32>,
      tpu.vector_store %arg7[%swap3A_196, %swap3A_197], %add3A_195 {strides = array<i32>} : memref<80x128xi32, #tpu.memory_space<vmem>>, vector<16xi32>,
      %mul3A_199 = arith.constant 128 : i32
      %mul3A_200 = arith.muli %while3A_100, %mul3A_199 : i32
      %add3A_201 = arith.constant 80 : i32
      %add3A_202 = arith.addi %mul3A_200, %add3A_201 : i32
      %get3A_203 = arith.constant 0 : i32
      %get3A_204 = arith.index_cast %get3A_203 : i32 to index
      %get3A_205 = arith.index_cast %add3A_202 : i32 to index
      %get3A_206 = tpu.vector_load %arg6[%get3A_204, %get3A_205] {strides = array<i32>} : memref<2x10240xi32, #tpu.memory_space<vmem>>, vector<16xi32>,
      %get3A_207 = arith.constant 1 : i32
      %get3A_208 = arith.index_cast %get3A_207 : i32 to index
      %get3A_209 = arith.index_cast %add3A_202 : i32 to index
      %get3A_210 = tpu.vector_load %arg6[%get3A_208, %get3A_209] {strides = array<i32>} : memref<2x10240xi32, #tpu.memory_space<vmem>>, vector<16xi32>,
      %gather3A_211 = tpu.vector_load_idx %arg5[%get3A_206] : memref<10000xi32, #tpu.memory_space<vmem>>[vector<16xi32>], vector<16xi32>,
      %mul3A_212 = arith.constant 128 : i32
      %mul3A_213 = vector.broadcast %mul3A_212 : i32 to vector<16xi32>
      %mul3A_214 = arith.muli %get3A_210, %mul3A_213 : vector<16xi32>
      %add3A_215 = arith.addi %mul3A_214, %gather3A_211 : vector<16xi32>
      %swap3A_216 = arith.index_cast %while3A_100 : i32 to index
      %swap3A_217 = arith.constant 80 : index
      %swap3A_218 = tpu.vector_load %arg7[%swap3A_216, %swap3A_217] {strides = array<i32>} : memref<80x128xi32, #tpu.memory_space<vmem>>, vector<16xi32>,
      tpu.vector_store %arg7[%swap3A_216, %swap3A_217], %add3A_215 {strides = array<i32>} : memref<80x128xi32, #tpu.memory_space<vmem>>, vector<16xi32>,
      %mul3A_219 = arith.constant 128 : i32
      %mul3A_220 = arith.muli %while3A_100, %mul3A_219 : i32
      %add3A_221 = arith.constant 96 : i32
      %add3A_222 = arith.addi %mul3A_220, %add3A_221 : i32
      %get3A_223 = arith.constant 0 : i32
      %get3A_224 = arith.index_cast %get3A_223 : i32 to index
      %get3A_225 = arith.index_cast %add3A_222 : i32 to index
      %get3A_226 = tpu.vector_load %arg6[%get3A_224, %get3A_225] {strides = array<i32>} : memref<2x10240xi32, #tpu.memory_space<vmem>>, vector<16xi32>,
      %get3A_227 = arith.constant 1 : i32
      %get3A_228 = arith.index_cast %get3A_227 : i32 to index
      %get3A_229 = arith.index_cast %add3A_222 : i32 to index
      %get3A_230 = tpu.vector_load %arg6[%get3A_228, %get3A_229] {strides = array<i32>} : memref<2x10240xi32, #tpu.memory_space<vmem>>, vector<16xi32>,
      %gather3A_231 = tpu.vector_load_idx %arg5[%get3A_226] : memref<10000xi32, #tpu.memory_space<vmem>>[vector<16xi32>], vector<16xi32>,
      %mul3A_232 = arith.constant 128 : i32
      %mul3A_233 = vector.broadcast %mul3A_232 : i32 to vector<16xi32>
      %mul3A_234 = arith.muli %get3A_230, %mul3A_233 : vector<16xi32>
      %add3A_235 = arith.addi %mul3A_234, %gather3A_231 : vector<16xi32>
      %swap3A_236 = arith.index_cast %while3A_100 : i32 to index
      %swap3A_237 = arith.constant 96 : index
      %swap3A_238 = tpu.vector_load %arg7[%swap3A_236, %swap3A_237] {strides = array<i32>} : memref<80x128xi32, #tpu.memory_space<vmem>>, vector<16xi32>,
      tpu.vector_store %arg7[%swap3A_236, %swap3A_237], %add3A_235 {strides = array<i32>} : memref<80x128xi32, #tpu.memory_space<vmem>>, vector<16xi32>,
      %mul3A_239 = arith.constant 128 : i32
      %mul3A_240 = arith.muli %while3A_100, %mul3A_239 : i32
      %add3A_241 = arith.constant 112 : i32
      %add3A_242 = arith.addi %mul3A_240, %add3A_241 : i32
      %get3A_243 = arith.constant 0 : i32
      %get3A_244 = arith.index_cast %get3A_243 : i32 to index
      %get3A_245 = arith.index_cast %add3A_242 : i32 to index
      %get3A_246 = tpu.vector_load %arg6[%get3A_244, %get3A_245] {strides = array<i32>} : memref<2x10240xi32, #tpu.memory_space<vmem>>, vector<16xi32>,
      %get3A_247 = arith.constant 1 : i32
      %get3A_248 = arith.index_cast %get3A_247 : i32 to index
      %get3A_249 = arith.index_cast %add3A_242 : i32 to index
      %get3A_250 = tpu.vector_load %arg6[%get3A_248, %get3A_249] {strides = array<i32>} : memref<2x10240xi32, #tpu.memory_space<vmem>>, vector<16xi32>,
      %gather3A_251 = tpu.vector_load_idx %arg5[%get3A_246] : memref<10000xi32, #tpu.memory_space<vmem>>[vector<16xi32>], vector<16xi32>,
      %mul3A_252 = arith.constant 128 : i32
      %mul3A_253 = vector.broadcast %mul3A_252 : i32 to vector<16xi32>
      %mul3A_254 = arith.muli %get3A_250, %mul3A_253 : vector<16xi32>
      %add3A_255 = arith.addi %mul3A_254, %gather3A_251 : vector<16xi32>
      %swap3A_256 = arith.index_cast %while3A_100 : i32 to index
      %swap3A_257 = arith.constant 112 : index
      %swap3A_258 = tpu.vector_load %arg7[%swap3A_256, %swap3A_257] {strides = array<i32>} : memref<80x128xi32, #tpu.memory_space<vmem>>, vector<16xi32>,
      tpu.vector_store %arg7[%swap3A_256, %swap3A_257], %add3A_255 {strides = array<i32>} : memref<80x128xi32, #tpu.memory_space<vmem>>, vector<16xi32>,
      %dma_start3A = arith.constant 0 : i32
      %dma_start3A_259 = tpu.memref_slice %arg7[%while3A_100, %dma_start3A] : memref<80x128xi32, #tpu.memory_space<vmem>> -> memref<1x128xi32, #tpu.memory_space<vmem>>
      %dma_start3A_260 = tpu.memref_squeeze %dma_start3A_259 : memref<1x128xi32, #tpu.memory_space<vmem>> -> memref<128xi32, #tpu.memory_space<vmem>>
      %dma_start3A_261 = arith.constant 0 : i32
      %dma_start3A_262 = tpu.memref_slice %arg10[%dma_start3A_261] : memref<1310720xf32, #tpu.memory_space<vmem_shared>> -> memref<1310720xf32, #tpu.memory_space<vmem_shared>>
      tpu.enqueue_indirect_dma source(%arg8 : memref<128xf32, #tpu.memory_space<vmem>>) target(%dma_start3A_262 : memref<1310720xf32, #tpu.memory_space<vmem_shared>>) offsets(%dma_start3A_260 : memref<128xi32, #tpu.memory_space<vmem>>) semaphore(%arg12 : memref<!tpu.dma_semaphore, #tpu.memory_space<semaphore_mem>>) {add = true}
    }
    %while3A_81 = arith.constant 1 : i32
    scf.for %while3A_100 = %while3A_79 to %while3A_75 step %while3A_81  : i32 {
      %mul3A_101 = arith.constant 128 : i32
      %mul3A_102 = arith.muli %while3A_100, %mul3A_101 : i32
      %add3A_103 = arith.constant 0 : i32
      %add3A_104 = arith.addi %mul3A_102, %add3A_103 : i32
      %get3A = arith.constant 0 : i32
      %get3A_105 = arith.index_cast %get3A : i32 to index
      %get3A_106 = arith.index_cast %add3A_104 : i32 to index
      %get3A_107 = tpu.vector_load %arg6[%get3A_105, %get3A_106] {strides = array<i32>} : memref<2x10240xi32, #tpu.memory_space<vmem>>, vector<16xi32>,
      %get3A_108 = arith.constant 1 : i32
      %get3A_109 = arith.index_cast %get3A_108 : i32 to index
      %get3A_110 = arith.index_cast %add3A_104 : i32 to index
      %get3A_111 = tpu.vector_load %arg6[%get3A_109, %get3A_110] {strides = array<i32>} : memref<2x10240xi32, #tpu.memory_space<vmem>>, vector<16xi32>,
      %gather3A = tpu.vector_load_idx %arg5[%get3A_107] : memref<10000xi32, #tpu.memory_space<vmem>>[vector<16xi32>], vector<16xi32>,
      %mul3A_112 = arith.constant 128 : i32
      %mul3A_113 = vector.broadcast %mul3A_112 : i32 to vector<16xi32>
      %mul3A_114 = arith.muli %get3A_111, %mul3A_113 : vector<16xi32>
      %add3A_115 = arith.addi %mul3A_114, %gather3A : vector<16xi32>
      %swap3A_116 = arith.index_cast %while3A_100 : i32 to index
      %swap3A_117 = arith.constant 0 : index
      %swap3A_118 = tpu.vector_load %arg7[%swap3A_116, %swap3A_117] {strides = array<i32>} : memref<80x128xi32, #tpu.memory_space<vmem>>, vector<16xi32>,
      tpu.vector_store %arg7[%swap3A_116, %swap3A_117], %add3A_115 {strides = array<i32>} : memref<80x128xi32, #tpu.memory_space<vmem>>, vector<16xi32>,
      %mul3A_119 = arith.constant 128 : i32
      %mul3A_120 = arith.muli %while3A_100, %mul3A_119 : i32
      %add3A_121 = arith.constant 16 : i32
      %add3A_122 = arith.addi %mul3A_120, %add3A_121 : i32
      %get3A_123 = arith.constant 0 : i32
      %get3A_124 = arith.index_cast %get3A_123 : i32 to index
      %get3A_125 = arith.index_cast %add3A_122 : i32 to index
      %get3A_126 = tpu.vector_load %arg6[%get3A_124, %get3A_125] {strides = array<i32>} : memref<2x10240xi32, #tpu.memory_space<vmem>>, vector<16xi32>,
      %get3A_127 = arith.constant 1 : i32
      %get3A_128 = arith.index_cast %get3A_127 : i32 to index
      %get3A_129 = arith.index_cast %add3A_122 : i32 to index
      %get3A_130 = tpu.vector_load %arg6[%get3A_128, %get3A_129] {strides = array<i32>} : memref<2x10240xi32, #tpu.memory_space<vmem>>, vector<16xi32>,
      %gather3A_131 = tpu.vector_load_idx %arg5[%get3A_126] : memref<10000xi32, #tpu.memory_space<vmem>>[vector<16xi32>], vector<16xi32>,
      %mul3A_132 = arith.constant 128 : i32
      %mul3A_133 = vector.broadcast %mul3A_132 : i32 to vector<16xi32>
      %mul3A_134 = arith.muli %get3A_130, %mul3A_133 : vector<16xi32>
      %add3A_135 = arith.addi %mul3A_134, %gather3A_131 : vector<16xi32>
      %swap3A_136 = arith.index_cast %while3A_100 : i32 to index
      %swap3A_137 = arith.constant 16 : index
      %swap3A_138 = tpu.vector_load %arg7[%swap3A_136, %swap3A_137] {strides = array<i32>} : memref<80x128xi32, #tpu.memory_space<vmem>>, vector<16xi32>,
      tpu.vector_store %arg7[%swap3A_136, %swap3A_137], %add3A_135 {strides = array<i32>} : memref<80x128xi32, #tpu.memory_space<vmem>>, vector<16xi32>,
      %mul3A_139 = arith.constant 128 : i32
      %mul3A_140 = arith.muli %while3A_100, %mul3A_139 : i32
      %add3A_141 = arith.constant 32 : i32
      %add3A_142 = arith.addi %mul3A_140, %add3A_141 : i32
      %get3A_143 = arith.constant 0 : i32
      %get3A_144 = arith.index_cast %get3A_143 : i32 to index
      %get3A_145 = arith.index_cast %add3A_142 : i32 to index
      %get3A_146 = tpu.vector_load %arg6[%get3A_144, %get3A_145] {strides = array<i32>} : memref<2x10240xi32, #tpu.memory_space<vmem>>, vector<16xi32>,
      %get3A_147 = arith.constant 1 : i32
      %get3A_148 = arith.index_cast %get3A_147 : i32 to index
      %get3A_149 = arith.index_cast %add3A_142 : i32 to index
      %get3A_150 = tpu.vector_load %arg6[%get3A_148, %get3A_149] {strides = array<i32>} : memref<2x10240xi32, #tpu.memory_space<vmem>>, vector<16xi32>,
      %gather3A_151 = tpu.vector_load_idx %arg5[%get3A_146] : memref<10000xi32, #tpu.memory_space<vmem>>[vector<16xi32>], vector<16xi32>,
      %mul3A_152 = arith.constant 128 : i32
      %mul3A_153 = vector.broadcast %mul3A_152 : i32 to vector<16xi32>
      %mul3A_154 = arith.muli %get3A_150, %mul3A_153 : vector<16xi32>
      %add3A_155 = arith.addi %mul3A_154, %gather3A_151 : vector<16xi32>
      %swap3A_156 = arith.index_cast %while3A_100 : i32 to index
      %swap3A_157 = arith.constant 32 : index
      %swap3A_158 = tpu.vector_load %arg7[%swap3A_156, %swap3A_157] {strides = array<i32>} : memref<80x128xi32, #tpu.memory_space<vmem>>, vector<16xi32>,
      tpu.vector_store %arg7[%swap3A_156, %swap3A_157], %add3A_155 {strides = array<i32>} : memref<80x128xi32, #tpu.memory_space<vmem>>, vector<16xi32>,
      %mul3A_159 = arith.constant 128 : i32
      %mul3A_160 = arith.muli %while3A_100, %mul3A_159 : i32
      %add3A_161 = arith.constant 48 : i32
      %add3A_162 = arith.addi %mul3A_160, %add3A_161 : i32
      %get3A_163 = arith.constant 0 : i32
      %get3A_164 = arith.index_cast %get3A_163 : i32 to index
      %get3A_165 = arith.index_cast %add3A_162 : i32 to index
      %get3A_166 = tpu.vector_load %arg6[%get3A_164, %get3A_165] {strides = array<i32>} : memref<2x10240xi32, #tpu.memory_space<vmem>>, vector<16xi32>,
      %get3A_167 = arith.constant 1 : i32
      %get3A_168 = arith.index_cast %get3A_167 : i32 to index
      %get3A_169 = arith.index_cast %add3A_162 : i32 to index
      %get3A_170 = tpu.vector_load %arg6[%get3A_168, %get3A_169] {strides = array<i32>} : memref<2x10240xi32, #tpu.memory_space<vmem>>, vector<16xi32>,
      %gather3A_171 = tpu.vector_load_idx %arg5[%get3A_166] : memref<10000xi32, #tpu.memory_space<vmem>>[vector<16xi32>], vector<16xi32>,
      %mul3A_172 = arith.constant 128 : i32
      %mul3A_173 = vector.broadcast %mul3A_172 : i32 to vector<16xi32>
      %mul3A_174 = arith.muli %get3A_170, %mul3A_173 : vector<16xi32>
      %add3A_175 = arith.addi %mul3A_174, %gather3A_171 : vector<16xi32>
      %swap3A_176 = arith.index_cast %while3A_100 : i32 to index
      %swap3A_177 = arith.constant 48 : index
      %swap3A_178 = tpu.vector_load %arg7[%swap3A_176, %swap3A_177] {strides = array<i32>} : memref<80x128xi32, #tpu.memory_space<vmem>>, vector<16xi32>,
      tpu.vector_store %arg7[%swap3A_176, %swap3A_177], %add3A_175 {strides = array<i32>} : memref<80x128xi32, #tpu.memory_space<vmem>>, vector<16xi32>,
      %mul3A_179 = arith.constant 128 : i32
      %mul3A_180 = arith.muli %while3A_100, %mul3A_179 : i32
      %add3A_181 = arith.constant 64 : i32
      %add3A_182 = arith.addi %mul3A_180, %add3A_181 : i32
      %get3A_183 = arith.constant 0 : i32
      %get3A_184 = arith.index_cast %get3A_183 : i32 to index
      %get3A_185 = arith.index_cast %add3A_182 : i32 to index
      %get3A_186 = tpu.vector_load %arg6[%get3A_184, %get3A_185] {strides = array<i32>} : memref<2x10240xi32, #tpu.memory_space<vmem>>, vector<16xi32>,
      %get3A_187 = arith.constant 1 : i32
      %get3A_188 = arith.index_cast %get3A_187 : i32 to index
      %get3A_189 = arith.index_cast %add3A_182 : i32 to index
      %get3A_190 = tpu.vector_load %arg6[%get3A_188, %get3A_189] {strides = array<i32>} : memref<2x10240xi32, #tpu.memory_space<vmem>>, vector<16xi32>,
      %gather3A_191 = tpu.vector_load_idx %arg5[%get3A_186] : memref<10000xi32, #tpu.memory_space<vmem>>[vector<16xi32>], vector<16xi32>,
      %mul3A_192 = arith.constant 128 : i32
      %mul3A_193 = vector.broadcast %mul3A_192 : i32 to vector<16xi32>
      %mul3A_194 = arith.muli %get3A_190, %mul3A_193 : vector<16xi32>
      %add3A_195 = arith.addi %mul3A_194, %gather3A_191 : vector<16xi32>
      %swap3A_196 = arith.index_cast %while3A_100 : i32 to index
      %swap3A_197 = arith.constant 64 : index
      %swap3A_198 = tpu.vector_load %arg7[%swap3A_196, %swap3A_197] {strides = array<i32>} : memref<80x128xi32, #tpu.memory_space<vmem>>, vector<16xi32>,
      tpu.vector_store %arg7[%swap3A_196, %swap3A_197], %add3A_195 {strides = array<i32>} : memref<80x128xi32, #tpu.memory_space<vmem>>, vector<16xi32>,
      %mul3A_199 = arith.constant 128 : i32
      %mul3A_200 = arith.muli %while3A_100, %mul3A_199 : i32
      %add3A_201 = arith.constant 80 : i32
      %add3A_202 = arith.addi %mul3A_200, %add3A_201 : i32
      %get3A_203 = arith.constant 0 : i32
      %get3A_204 = arith.index_cast %get3A_203 : i32 to index
      %get3A_205 = arith.index_cast %add3A_202 : i32 to index
      %get3A_206 = tpu.vector_load %arg6[%get3A_204, %get3A_205] {strides = array<i32>} : memref<2x10240xi32, #tpu.memory_space<vmem>>, vector<16xi32>,
      %get3A_207 = arith.constant 1 : i32
      %get3A_208 = arith.index_cast %get3A_207 : i32 to index
      %get3A_209 = arith.index_cast %add3A_202 : i32 to index
      %get3A_210 = tpu.vector_load %arg6[%get3A_208, %get3A_209] {strides = array<i32>} : memref<2x10240xi32, #tpu.memory_space<vmem>>, vector<16xi32>,
      %gather3A_211 = tpu.vector_load_idx %arg5[%get3A_206] : memref<10000xi32, #tpu.memory_space<vmem>>[vector<16xi32>], vector<16xi32>,
      %mul3A_212 = arith.constant 128 : i32
      %mul3A_213 = vector.broadcast %mul3A_212 : i32 to vector<16xi32>
      %mul3A_214 = arith.muli %get3A_210, %mul3A_213 : vector<16xi32>
      %add3A_215 = arith.addi %mul3A_214, %gather3A_211 : vector<16xi32>
      %swap3A_216 = arith.index_cast %while3A_100 : i32 to index
      %swap3A_217 = arith.constant 80 : index
      %swap3A_218 = tpu.vector_load %arg7[%swap3A_216, %swap3A_217] {strides = array<i32>} : memref<80x128xi32, #tpu.memory_space<vmem>>, vector<16xi32>,
      tpu.vector_store %arg7[%swap3A_216, %swap3A_217], %add3A_215 {strides = array<i32>} : memref<80x128xi32, #tpu.memory_space<vmem>>, vector<16xi32>,
      %mul3A_219 = arith.constant 128 : i32
      %mul3A_220 = arith.muli %while3A_100, %mul3A_219 : i32
      %add3A_221 = arith.constant 96 : i32
      %add3A_222 = arith.addi %mul3A_220, %add3A_221 : i32
      %get3A_223 = arith.constant 0 : i32
      %get3A_224 = arith.index_cast %get3A_223 : i32 to index
      %get3A_225 = arith.index_cast %add3A_222 : i32 to index
      %get3A_226 = tpu.vector_load %arg6[%get3A_224, %get3A_225] {strides = array<i32>} : memref<2x10240xi32, #tpu.memory_space<vmem>>, vector<16xi32>,
      %get3A_227 = arith.constant 1 : i32
      %get3A_228 = arith.index_cast %get3A_227 : i32 to index
      %get3A_229 = arith.index_cast %add3A_222 : i32 to index
      %get3A_230 = tpu.vector_load %arg6[%get3A_228, %get3A_229] {strides = array<i32>} : memref<2x10240xi32, #tpu.memory_space<vmem>>, vector<16xi32>,
      %gather3A_231 = tpu.vector_load_idx %arg5[%get3A_226] : memref<10000xi32, #tpu.memory_space<vmem>>[vector<16xi32>], vector<16xi32>,
      %mul3A_232 = arith.constant 128 : i32
      %mul3A_233 = vector.broadcast %mul3A_232 : i32 to vector<16xi32>
      %mul3A_234 = arith.muli %get3A_230, %mul3A_233 : vector<16xi32>
      %add3A_235 = arith.addi %mul3A_234, %gather3A_231 : vector<16xi32>
      %swap3A_236 = arith.index_cast %while3A_100 : i32 to index
      %swap3A_237 = arith.constant 96 : index
      %swap3A_238 = tpu.vector_load %arg7[%swap3A_236, %swap3A_237] {strides = array<i32>} : memref<80x128xi32, #tpu.memory_space<vmem>>, vector<16xi32>,
      tpu.vector_store %arg7[%swap3A_236, %swap3A_237], %add3A_235 {strides = array<i32>} : memref<80x128xi32, #tpu.memory_space<vmem>>, vector<16xi32>,
      %mul3A_239 = arith.constant 128 : i32
      %mul3A_240 = arith.muli %while3A_100, %mul3A_239 : i32
      %add3A_241 = arith.constant 112 : i32
      %add3A_242 = arith.addi %mul3A_240, %add3A_241 : i32
      %get3A_243 = arith.constant 0 : i32
      %get3A_244 = arith.index_cast %get3A_243 : i32 to index
      %get3A_245 = arith.index_cast %add3A_242 : i32 to index
      %get3A_246 = tpu.vector_load %arg6[%get3A_244, %get3A_245] {strides = array<i32>} : memref<2x10240xi32, #tpu.memory_space<vmem>>, vector<16xi32>,
      %get3A_247 = arith.constant 1 : i32
      %get3A_248 = arith.index_cast %get3A_247 : i32 to index
      %get3A_249 = arith.index_cast %add3A_242 : i32 to index
      %get3A_250 = tpu.vector_load %arg6[%get3A_248, %get3A_249] {strides = array<i32>} : memref<2x10240xi32, #tpu.memory_space<vmem>>, vector<16xi32>,
      %gather3A_251 = tpu.vector_load_idx %arg5[%get3A_246] : memref<10000xi32, #tpu.memory_space<vmem>>[vector<16xi32>], vector<16xi32>,
      %mul3A_252 = arith.constant 128 : i32
      %mul3A_253 = vector.broadcast %mul3A_252 : i32 to vector<16xi32>
      %mul3A_254 = arith.muli %get3A_250, %mul3A_253 : vector<16xi32>
      %add3A_255 = arith.addi %mul3A_254, %gather3A_251 : vector<16xi32>
      %swap3A_256 = arith.index_cast %while3A_100 : i32 to index
      %swap3A_257 = arith.constant 112 : index
      %swap3A_258 = tpu.vector_load %arg7[%swap3A_256, %swap3A_257] {strides = array<i32>} : memref<80x128xi32, #tpu.memory_space<vmem>>, vector<16xi32>,
      tpu.vector_store %arg7[%swap3A_256, %swap3A_257], %add3A_255 {strides = array<i32>} : memref<80x128xi32, #tpu.memory_space<vmem>>, vector<16xi32>,
      %dma_start3A = arith.constant 0 : i32
      %dma_start3A_259 = tpu.memref_slice %arg7[%while3A_100, %dma_start3A] : memref<80x128xi32, #tpu.memory_space<vmem>> -> memref<1x128xi32, #tpu.memory_space<vmem>>
      %dma_start3A_260 = tpu.memref_squeeze %dma_start3A_259 : memref<1x128xi32, #tpu.memory_space<vmem>> -> memref<128xi32, #tpu.memory_space<vmem>>
      %dma_start3A_261 = arith.constant 0 : i32
      %dma_start3A_262 = tpu.memref_slice %arg10[%dma_start3A_261] : memref<1310720xf32, #tpu.memory_space<vmem_shared>> -> memref<1310720xf32, #tpu.memory_space<vmem_shared>>
      tpu.enqueue_indirect_dma source(%arg8 : memref<128xf32, #tpu.memory_space<vmem>>) target(%dma_start3A_262 : memref<1310720xf32, #tpu.memory_space<vmem_shared>>) offsets(%dma_start3A_260 : memref<128xi32, #tpu.memory_space<vmem>>) semaphore(%arg12 : memref<!tpu.dma_semaphore, #tpu.memory_space<semaphore_mem>>) {add = true}
    }
    %while3A_82 = arith.constant 0 : i32
    %while3A_83 = arith.constant 0 : i32
    %while3A_84 = arith.subi %select_n3A, %while3A_83 : i32
    %while3A_85 = arith.addi %while3A_83, %while3A_84 : i32
    %while3A_86 = arith.constant 1 : i32
    %while3A_87 = arith.divsi %while3A_84, %while3A_86 : i32
    %while3A_88 = arith.muli %while3A_87, %while3A_86 : i32
    %while3A_89 = arith.addi %while3A_83, %while3A_88 : i32
    %while3A_90 = arith.constant 1 : i32
    scf.for %while3A_100 = %while3A_83 to %while3A_89 step %while3A_90  : i32 {
      %dma_wait3A = arith.constant 0 : i32
      %dma_wait3A_101 = tpu.memref_slice %arg7[%while3A_100, %dma_wait3A] : memref<80x128xi32, #tpu.memory_space<vmem>> -> memref<1x128xi32, #tpu.memory_space<vmem>>
      %dma_wait3A_102 = tpu.memref_squeeze %dma_wait3A_101 : memref<1x128xi32, #tpu.memory_space<vmem>> -> memref<128xi32, #tpu.memory_space<vmem>>
      %dma_wait3A_103 = arith.constant 0 : i32
      %dma_wait3A_104 = tpu.memref_slice %arg10[%dma_wait3A_103] : memref<1310720xf32, #tpu.memory_space<vmem_shared>> -> memref<1310720xf32, #tpu.memory_space<vmem_shared>>
      tpu.wait_indirect_dma semaphore(%arg12 : memref<!tpu.dma_semaphore, #tpu.memory_space<semaphore_mem>>) src(%arg8 : memref<128xf32, #tpu.memory_space<vmem>>) dst(%dma_wait3A_104 : memref<1310720xf32, #tpu.memory_space<vmem_shared>>)
    }
    %while3A_91 = arith.constant 1 : i32
    scf.for %while3A_100 = %while3A_89 to %while3A_85 step %while3A_91  : i32 {
      %dma_wait3A = arith.constant 0 : i32
      %dma_wait3A_101 = tpu.memref_slice %arg7[%while3A_100, %dma_wait3A] : memref<80x128xi32, #tpu.memory_space<vmem>> -> memref<1x128xi32, #tpu.memory_space<vmem>>
      %dma_wait3A_102 = tpu.memref_squeeze %dma_wait3A_101 : memref<1x128xi32, #tpu.memory_space<vmem>> -> memref<128xi32, #tpu.memory_space<vmem>>
      %dma_wait3A_103 = arith.constant 0 : i32
      %dma_wait3A_104 = tpu.memref_slice %arg10[%dma_wait3A_103] : memref<1310720xf32, #tpu.memory_space<vmem_shared>> -> memref<1310720xf32, #tpu.memory_space<vmem_shared>>
      tpu.wait_indirect_dma semaphore(%arg12 : memref<!tpu.dma_semaphore, #tpu.memory_space<semaphore_mem>>) src(%arg8 : memref<128xf32, #tpu.memory_space<vmem>>) dst(%dma_wait3A_104 : memref<1310720xf32, #tpu.memory_space<vmem_shared>>)
    }
    %barrier3A_92 = arith.constant 0 : index
    tpu.barrier barrier_id(%barrier3A_92)
    %mul3A_93 = arith.constant 81920 : i32
    %mul3A_94 = arith.muli %arg1, %mul3A_93 : i32
    %mul3A_95 = arith.constant 1310720 : i32
    %mul3A_96 = arith.muli %arg0, %mul3A_95 : i32
    %mul3A_97 = arith.constant 81920 : i32
    %mul3A_98 = arith.muli %arg1, %mul3A_97 : i32
    %add3A_99 = arith.addi %mul3A_96, %mul3A_98 : i32
    "tpu.region"() ({
      %run_scoped3A = tpu.sem_alloc : memref<!tpu.dma_semaphore, #tpu.memory_space<semaphore_mem>>
      %dma_start3A = tpu.memref_slice %arg4[%add3A_99] : memref<2621440xf32, #tpu.memory_space<hbm>> -> memref<81920xf32, #tpu.memory_space<hbm>>
      %dma_start3A_100 = tpu.memref_slice %arg10[%mul3A_94] : memref<1310720xf32, #tpu.memory_space<vmem_shared>> -> memref<81920xf32, #tpu.memory_space<vmem_shared>>
      tpu.enqueue_dma source(%dma_start3A_100 : memref<81920xf32, #tpu.memory_space<vmem_shared>>) target(%dma_start3A : memref<81920xf32, #tpu.memory_space<hbm>>) target_semaphore(%run_scoped3A : memref<!tpu.dma_semaphore, #tpu.memory_space<semaphore_mem>>)
      %dma_wait3A = tpu.memref_slice %arg4[%add3A_99] : memref<2621440xf32, #tpu.memory_space<hbm>> -> memref<81920xf32, #tpu.memory_space<hbm>>
      %dma_wait3A_101 = tpu.memref_slice %arg10[%mul3A_94] : memref<1310720xf32, #tpu.memory_space<vmem_shared>> -> memref<81920xf32, #tpu.memory_space<vmem_shared>>
      tpu.wait_dma2 semaphore(%run_scoped3A : memref<!tpu.dma_semaphore, #tpu.memory_space<semaphore_mem>>) src(%dma_wait3A_101 : memref<81920xf32, #tpu.memory_space<vmem_shared>>) dst(%dma_wait3A : memref<81920xf32, #tpu.memory_space<hbm>>)
      tpu.yield
    }) : () -> ()
    return
  }
}

module attributes {stable_mosaic.version = 14 : i64} {
  func.func @_tc_body(%arg0: i32, %arg1: memref<1000x1xi32, #tpu.memory_space<vmem>>, %arg2: memref<2x1000x128xf32, #tpu.memory_space<vmem>>, %arg3: memref<128x128xf32, #tpu.memory_space<vmem>>, %arg4: memref<1000x128xf32, #tpu.memory_space<vmem>>, %arg5: memref<1000x128xf32, #tpu.memory_space<vmem>>) attributes {dimension_semantics = [#tpu.dimension_semantics<arbitrary>], iteration_bounds = array<i64: 10>, scalar_prefetch = 0 : i64, scratch_operands = 0 : i64, tpu.core_type = #tpu.core_type<tc>, window_params = [{transform_indices = @transform_0, window_bounds = array<i64: 1000, 1>}, {transform_indices = @transform_1, window_bounds = array<i64: 2, 1000, 128>}, {pipeline_mode = #tpu.pipeline_mode<synchronous>, transform_indices = @transform_2, window_bounds = array<i64: 128, 128>}, {transform_indices = @transform_3, window_bounds = array<i64: 1000, 128>}, {transform_indices = @transform_4, window_bounds = array<i64: 1000, 128>}]} {
    %get3A = arith.constant 0 : index
    %get3A_0 = arith.constant 0 : index
    %get3A_1 = vector.load %arg3[%get3A, %get3A_0] : memref<128x128xf32, #tpu.memory_space<vmem>>, vector<128x128xf32>
    %convert_element_type3A = arith.truncf %get3A_1 : vector<128x128xf32> to vector<128x128xbf16>
    %convert_element_type3A_2 = arith.extf %convert_element_type3A : vector<128x128xbf16> to vector<128x128xf32>
    %sub3A = arith.subf %get3A_1, %convert_element_type3A_2 : vector<128x128xf32>
    %convert_element_type3A_3 = arith.truncf %sub3A : vector<128x128xf32> to vector<128x128xbf16>
    %get3A_4 = arith.constant 0 : index
    %get3A_5 = arith.constant 0 : index
    %get3A_6 = arith.constant 0 : index
    %get3A_7 = vector.load %arg2[%get3A_4, %get3A_5, %get3A_6] : memref<2x1000x128xf32, #tpu.memory_space<vmem>>, vector<1x1000x128xf32>
    %get3A_8 = vector.shape_cast %get3A_7 : vector<1x1000x128xf32> to vector<1000x128xf32>
    %get3A_9 = arith.constant 1 : index
    %get3A_10 = arith.constant 0 : index
    %get3A_11 = arith.constant 0 : index
    %get3A_12 = vector.load %arg2[%get3A_9, %get3A_10, %get3A_11] : memref<2x1000x128xf32, #tpu.memory_space<vmem>>, vector<1x1000x128xf32>
    %get3A_13 = vector.shape_cast %get3A_12 : vector<1x1000x128xf32> to vector<1000x128xf32>
    %add3A = arith.addf %get3A_8, %get3A_13 : vector<1000x128xf32>
    %convert_element_type3A_14 = arith.truncf %add3A : vector<1000x128xf32> to vector<1000x128xbf16>
    %convert_element_type3A_15 = arith.extf %convert_element_type3A_14 : vector<1000x128xbf16> to vector<1000x128xf32>
    %sub3A_16 = arith.subf %add3A, %convert_element_type3A_15 : vector<1000x128xf32>
    %convert_element_type3A_17 = arith.truncf %sub3A_16 : vector<1000x128xf32> to vector<1000x128xbf16>
    %dot_general3A = arith.constant dense<0.000000e+00> : vector<1000x128xf32>
    %dot_general3A_18 = tpu.matmul %convert_element_type3A_14, %convert_element_type3A, %dot_general3A {dimension_numbers = #tpu.dot_dimension_numbers<[1], [0], [0], [1], [0, 0, 1, 1], [], []>, transpose_lhs_hint = false} : vector<1000x128xbf16>, vector<128x128xbf16>, vector<1000x128xf32> -> vector<1000x128xf32>
    %dot_general3A_19 = arith.constant dense<0.000000e+00> : vector<1000x128xf32>
    %dot_general3A_20 = tpu.matmul %convert_element_type3A_14, %convert_element_type3A_3, %dot_general3A_19 {dimension_numbers = #tpu.dot_dimension_numbers<[1], [0], [0], [1], [0, 0, 1, 1], [], []>, transpose_lhs_hint = false} : vector<1000x128xbf16>, vector<128x128xbf16>, vector<1000x128xf32> -> vector<1000x128xf32>
    %add3A_21 = arith.addf %dot_general3A_18, %dot_general3A_20 : vector<1000x128xf32>
    %dot_general3A_22 = arith.constant dense<0.000000e+00> : vector<1000x128xf32>
    %dot_general3A_23 = tpu.matmul %convert_element_type3A_17, %convert_element_type3A, %dot_general3A_22 {dimension_numbers = #tpu.dot_dimension_numbers<[1], [0], [0], [1], [0, 0, 1, 1], [], []>, transpose_lhs_hint = false} : vector<1000x128xbf16>, vector<128x128xbf16>, vector<1000x128xf32> -> vector<1000x128xf32>
    %add3A_24 = arith.addf %add3A_21, %dot_general3A_23 : vector<1000x128xf32>
    %swap3A = arith.constant 0 : index
    %swap3A_25 = arith.constant 0 : index
    %swap3A_26 = vector.load %arg5[%swap3A, %swap3A_25] : memref<1000x128xf32, #tpu.memory_space<vmem>>, vector<1000x128xf32>
    tpu.vector_store %arg5[%swap3A, %swap3A_25], %add3A_24 {strides = array<i32>} : memref<1000x128xf32, #tpu.memory_space<vmem>>, vector<1000x128xf32>,
    %get3A_27 = arith.constant 0 : index
    %get3A_28 = arith.constant 0 : index
    %get3A_29 = vector.load %arg1[%get3A_27, %get3A_28] : memref<1000x1xi32, #tpu.memory_space<vmem>>, vector<1000x1xi32>
    %iota3A = tpu.iota {dimensions = array<i32: 1>} : vector<1000x128xi32>
    %eq3A = vector.broadcast %get3A_29 : vector<1000x1xi32> to vector<1000x128xi32>
    %eq3A_30 = arith.cmpi eq, %eq3A, %iota3A : vector<1000x128xi32>
    %convert_element_type3A_31 = arith.extui %eq3A_30 : vector<1000x128xi1> to vector<1000x128xi32>
    %convert_element_type3A_32 = arith.sitofp %convert_element_type3A_31 : vector<1000x128xi32> to vector<1000x128xf32>
    %convert_element_type3A_33 = arith.truncf %convert_element_type3A_32 : vector<1000x128xf32> to vector<1000x128xbf16>
    %dot_general3A_34 = arith.constant dense<0.000000e+00> : vector<1000x128xf32>
    %dot_general3A_35 = tpu.matmul %convert_element_type3A_33, %convert_element_type3A, %dot_general3A_34 {dimension_numbers = #tpu.dot_dimension_numbers<[1], [0], [0], [1], [0, 0, 1, 1], [], []>, transpose_lhs_hint = false} : vector<1000x128xbf16>, vector<128x128xbf16>, vector<1000x128xf32> -> vector<1000x128xf32>
    %dot_general3A_36 = arith.constant dense<0.000000e+00> : vector<1000x128xf32>
    %dot_general3A_37 = tpu.matmul %convert_element_type3A_33, %convert_element_type3A_3, %dot_general3A_36 {dimension_numbers = #tpu.dot_dimension_numbers<[1], [0], [0], [1], [0, 0, 1, 1], [], []>, transpose_lhs_hint = false} : vector<1000x128xbf16>, vector<128x128xbf16>, vector<1000x128xf32> -> vector<1000x128xf32>
    %add3A_38 = arith.addf %dot_general3A_35, %dot_general3A_37 : vector<1000x128xf32>
    %swap3A_39 = arith.constant 0 : index
    %swap3A_40 = arith.constant 0 : index
    %swap3A_41 = vector.load %arg4[%swap3A_39, %swap3A_40] : memref<1000x128xf32, #tpu.memory_space<vmem>>, vector<1000x128xf32>
    tpu.vector_store %arg4[%swap3A_39, %swap3A_40], %add3A_38 {strides = array<i32>} : memref<1000x128xf32, #tpu.memory_space<vmem>>, vector<1000x128xf32>,
    return
  }
  func.func @transform_0(%arg0: i32) -> (i32, i32) {
    %c0_i32 = arith.constant 0 : i32
    %c0_i32_0 = arith.constant 0 : i32
    return %arg0, %c0_i32 : i32, i32
  }
  func.func @transform_1(%arg0: i32) -> (i32, i32, i32) {
    %c0_i32 = arith.constant 0 : i32
    %c0_i32_0 = arith.constant 0 : i32
    %c0_i32_1 = arith.constant 0 : i32
    return %c0_i32, %arg0, %c0_i32_0 : i32, i32, i32
  }
  func.func @transform_2(%arg0: i32) -> (i32, i32) {
    %c0_i32 = arith.constant 0 : i32
    %c0_i32_0 = arith.constant 0 : i32
    %c0_i32_1 = arith.constant 0 : i32
    return %c0_i32, %c0_i32_0 : i32, i32
  }
  func.func @transform_3(%arg0: i32) -> (i32, i32) {
    %c0_i32 = arith.constant 0 : i32
    %c0_i32_0 = arith.constant 0 : i32
    return %arg0, %c0_i32 : i32, i32
  }
  func.func @transform_4(%arg0: i32) -> (i32, i32) {
    %c0_i32 = arith.constant 0 : i32
    %c0_i32_0 = arith.constant 0 : i32
    return %arg0, %c0_i32 : i32, i32
  }
}

</mosaic_0001>

<sc_bundles>
// kernel: kernel.4.cloned.1.call-start
scs
__scs_entry_jumppad:
0x0: {  	(pc) =	sbr.rel $0x88, $3  }
0x1: {  	(tag) =	ssettag $0x0;
	lr =	simm.s32 $0x1  }
0x2: {  	[smem:$0x3F9E] =	sst lr;
	_ =	strace $0xD0000000  }
0x3: {  	_ = 	snop  }
0x4: {  	_ = 	snop  }
0x5: {  	_ = 	snop  }
0x6: {  	_ = 	snop  }
0x7: {  	_ = 	snop  }
__scs_overlays_trampoline_lowered:
0x8: {  	[smem:$0x3FAD] =	sst s0  }
0x9: {  	[smem:$0x3FAE] =	sst s1  }
0xa: {  	[smem:$0x3FAF] =	sst s2  }
0xb: {  	[smem:$0x3FB0] =	sst s3  }
0xc: {  	[smem:$0x3FB1] =	sst s4  }
0xd: {  	[smem:$0x3FB2] =	sst s5  }
0xe: {  	[smem:$0x3FB3] =	sst s6  }
0xf: {  	[smem:$0x3FB4] =	sst s7  }
0x10: {  	[smem:$0x3FB5] =	sst s8  }
0x11: {  	[smem:$0x3FB6] =	sst s9;
	s0 =	simm.s32 @!p0 $0x0  }
0x12: {  	s1 =	sld [smem:$0x3F9C];
	s0 =	simm.s32 @p0 $0x1  }
0x13: {  	[smem:$0x3FB7] =	sst s0;
	s0 =	simm.s32 @!p1 $0x0  }
0x14: {  	s2 =	sld [smem:$0x3F9B];
	s0 =	simm.s32 @p1 $0x1  }
0x15: {  	[smem:$0x3FB8] =	sst s0;
	s0 =	simm.s32 @!p2 $0x0  }
0x16: {  	s3 =	sld [smem:$0x3FDB];
	s0 =	simm.s32 @p2 $0x1  }
0x17: {  	s4 =	simm.s32 $0x1BF5;
	[smem:$0x3FBA] =	sst s0  }
0x18: {  	s0 =	sld [smem:$0x3F9D];
	_ =	swait.ge [sflag:s4], $0x0  }
0x19: {  	s7 =	sld [smem:$0x3F9E]  }
0x1a: {  	s8 =	sadd.s32 $0xFFFFE003, lr  }
0x1b: {  	s9 =	sadd.s32 $0xFFFFFEF7, lr;
	s5 =	simm.s32 $0xFFFFFFFF;
	p2 =	slt.u32 s8, $0xFFFFF086  }
0x1c: {  	p1 =	slt.u32 s9, $0xF7A;
	s5 =	simm.s32 @!p2 $0x0  }
0x1d: {  	s5 =	simm.s32 @p1 $0x1;
	p0 =	seq.s32 s7, s2  }
0x1e: {  	s7 =	smul.u32 @!p0 $0xF7A, s2;
	p2 =	seq.s32 @!p0 s5, $0x0  }
0x1f: {  	s9 =	smul.u32 $0xF7A, s1;
	s8 =	simm.s32 @!p0 $0x1BF5;
	p2 =	por !p2, p0  }
0x20: {  	[sflag:s8] =	ssyncset.s32 @!p0 $0xFFFFF086;
	s6 =	sadd.s32 @!p0 s3, s7;
	s7 =	simm.s32 @!p0 $0x108  }
0x21: {  	s3 =	sadd.s32 s3, s9;
	s6 =	sadd.s32 @!p0 $0x88, s6;
	s7 =	simm.s32 @p2 $0x1082  }
0x22: {  	[simem:s7], [sflag:s8] =	dma.local @!p0 [hbm:s6], $0xF7A  }
0x23: {  	s9 =	sor.u32 $0xD0000000, s2;
	s6 =	simm.s32 $0x108;
	_ =	swait.ge @!p0 [sflag:s8], $0x0  }
0x24: {  	s3 =	sadd.s32 $0x88, s3;
	s6 =	simm.s32 @!p1 $0x1082;
	[sflag:s4] =	ssyncset.s32 $0xFFFFF086  }
0x25: {  	[simem:s6], [sflag:s4] =	dma.local [hbm:s3], $0xF7A  }
0x26: {  	[smem:$0x3F9E] =	sst s1;
	(tag) =	ssettag s2;
	_ =	strace s9  }
0x27: {  	s1 =	sld [smem:$0x3FAE]  }
0x28: {  	s2 =	sld [smem:$0x3FAF]  }
0x29: {  	s4 =	sld [smem:$0x3FB1]  }
0x2a: {  	p0 =	seq.s32 s5, $0x0;
	s5 =	sld [smem:$0x3FB2]  }
0x2b: {  	s6 =	sld [smem:$0x3FB3]  }
0x2c: {  	s7 =	sld [smem:$0x3FB4]  }
0x2d: {  	s3 =	simm.s32 $0x108;
	s8 =	sld [smem:$0x3FB5]  }
0x2e: {  	s3 =	simm.s32 @!p0 $0x1082;
	s9 =	sld [smem:$0x3FB6]  }
0x2f: {  	lr =	sadd.s32 s0, s3;
	s0 =	sld [smem:$0x3FAD]  }
0x30: {  	s3 =	sld [smem:$0x3FB0]  }
0x31: {  	[smem:$0x3FB9] =	sst s10  }
0x32: {  	s10 =	sld [smem:$0x3FB7];
	_ =	sdelay $0x3  }
0x33: {  	p0 =	seq.s32 s10, $0x1;
	s10 =	sld [smem:$0x3FB9];
	_ =	sdelay $0x3  }
0x34: {  	[smem:$0x3FB9] =	sst s10  }
0x35: {  	s10 =	sld [smem:$0x3FB8];
	_ =	sdelay $0x3  }
0x36: {  	p1 =	seq.s32 s10, $0x1;
	s10 =	sld [smem:$0x3FB9];
	_ =	sdelay $0x3  }
0x37: {  	[smem:$0x3FB9] =	sst s10  }
0x38: {  	s10 =	sld [smem:$0x3FBA]  }
0x39: {  	_ = 	snop;
	(pc) =	sbr.ind lr, $3  }
0x3a: {  	_ = 	snop  }
0x3b: {  	_ = 	snop  }
0x3c: {  	p2 =	seq.s32 s10, $0x1;
	s10 =	sld [smem:$0x3FB9]  }
0x3d: {  	_ =	shalt  }
0x3e: {  	_ =	shalt  }
0x3f: {  	_ =	shalt  }
0x40: {  	_ =	shalt  }
0x41: {  	_ =	shalt  }
0x42: {  	_ =	shalt  }
0x43: {  	_ =	shalt  }
0x44: {  	_ =	shalt  }
0x45: {  	_ =	shalt  }
0x46: {  	_ =	shalt  }
0x47: {  	_ =	shalt  }
0x48: {  	_ =	shalt  }
0x49: {  	_ =	shalt  }
0x4a: {  	_ =	shalt  }
0x4b: {  	_ =	shalt  }
0x4c: {  	_ =	shalt  }
0x4d: {  	_ =	shalt  }
0x4e: {  	_ =	shalt  }
0x4f: {  	_ =	shalt  }
0x50: {  	_ =	shalt  }
0x51: {  	_ =	shalt  }
0x52: {  	_ =	shalt  }
0x53: {  	_ =	shalt  }
0x54: {  	_ =	shalt  }
0x55: {  	_ =	shalt  }
0x56: {  	_ =	shalt  }
0x57: {  	_ =	shalt  }
0x58: {  	_ =	shalt  }
0x59: {  	_ =	shalt  }
0x5a: {  	_ =	shalt  }
0x5b: {  	_ =	shalt  }
0x5c: {  	_ =	shalt  }
0x5d: {  	_ =	shalt  }
0x5e: {  	_ =	shalt  }
0x5f: {  	_ =	shalt  }
0x60: {  	_ =	shalt  }
0x61: {  	_ =	shalt  }
0x62: {  	_ =	shalt  }
0x63: {  	_ =	shalt  }
0x64: {  	_ =	shalt  }
0x65: {  	_ =	shalt  }
0x66: {  	_ =	shalt  }
0x67: {  	_ =	shalt  }
0x68: {  	_ =	shalt  }
0x69: {  	_ =	shalt  }
0x6a: {  	_ =	shalt  }
0x6b: {  	_ =	shalt  }
0x6c: {  	_ =	shalt  }
0x6d: {  	_ =	shalt  }
0x6e: {  	_ =	shalt  }
0x6f: {  	_ =	shalt  }
0x70: {  	_ =	shalt  }
0x71: {  	_ =	shalt  }
0x72: {  	_ =	shalt  }
0x73: {  	_ =	shalt  }
0x74: {  	_ =	shalt  }
0x75: {  	_ =	shalt  }
0x76: {  	_ =	shalt  }
0x77: {  	_ =	shalt  }
0x78: {  	_ =	shalt  }
0x79: {  	_ =	shalt  }
0x7a: {  	_ =	shalt  }
0x7b: {  	_ =	shalt  }
0x7c: {  	_ =	shalt  }
0x7d: {  	_ =	shalt  }
0x7e: {  	_ =	shalt  }
0x7f: {  	_ =	shalt  }
0x80: {  	_ =	shalt  }
0x81: {  	_ =	shalt  }
0x82: {  	_ =	shalt  }
0x83: {  	_ =	shalt  }
0x84: {  	_ =	shalt  }
0x85: {  	_ =	shalt  }
0x86: {  	_ =	shalt  }
0x87: {  	_ =	shalt  }
.Lfunc_end0:
.L_simem_size_0:
called_computation_lowered:
.L_overlay_start_0:
0x88: {  	s2 =	sld [smem:$0x3FD9]  }
0x89: {  	s3 =	sld [smem:$0x3FFE];
	_ =	sdelay $0x1  }
0x8a: {  	s1 =	srdreg.scid  }
0x8b: {  	s0 =	sand.u32 $0x1, s1  }
0x8c: {  	s14 =	sshll.u32 s0, $0xA;
	s2 =	sadd.s32 s3, s2  }
0x8d: {  	s2 =	sadd.s32 s2, s14  }
0x8e: {  	[smem:$0x3FC5] =	sst s2  }
0x8f: {  	_ = 	snop  }
0x90: {  	s2 =	sld [smem:$0x3FD0];
	_ =	sdelay $0x2  }
0x91: {  	s4 =	simm.s32 $0xA;
	s5 =	simm.s32 $0x10;
	s15 =	sld [smem:$0x3FC8]  }
0x92: {  	[smem:s5], [sflag:s4] =	dma.local [hbm:s2], $0x1  }
0x93: {  	_ =	swait.eq [sflag:s4], $0x1  }
0x94: {  	[sflag:s4] =	ssyncset.done $0x0  }
0x95: {  	[sflag:s4] =	ssyncadd.s32 $0xFFFFFFFF  }
0x96: {  	s16 =	sld [smem:$0x11];
	(tm) =	ssettm $0x1  }
0x97: {  	s17 =	sld [smem:$0x3FFB];
	_ =	sdelay $0x3  }
0x98: {  	_ =	strace s17  }
0x99: {  	s4 =	sld [smem:$0x3FFC];
	_ =	sdelay $0x3  }
0x9a: {  	_ =	strace s4  }
0x9b: {  	s4 =	sld [smem:$0x3FFD];
	_ =	sdelay $0x3  }
0x9c: {  	_ =	strace s4  }
0x9d: {  	_ =	strace $0x8FFFFFFF  }
0x9e: {  	s18 =	sld [smem:$0x3FDB];
	_ =	sdelay $0x1  }
0x9f: {  	s19 =	simm.s32 $_scs_section_size  }
0xa0: {  	s6 =	simm.s32 $_size__tile_overlayer_lowered;
	s7 =	simm.s32 $_tile_overlayer_lowered  }
0xa1: {  	s22 =	simm.s32 $0x1BFF;
	s21 =	sshll.u32 s7, $0x1;
	s4 =	sadd.s32 s19, s18  }
0xa2: {  	s8 =	simm.s32 $0x0;
	s20 =	sshll.u32 s6, $0x1;
	s6 =	sadd.s32 s21, s4  }
0xa3: {  	[timem:s8], [sflag:s22] =	dma.local [hbm:s6], s20  }
0xa4: {  	_ =	swait.ge [sflag:s22], s20  }
0xa5: {  	s5 =	ssub.s32 $0x0, s20;
	[sflag:s22] =	ssyncset.done $0x0  }
0xa6: {  	[sflag:s22] =	ssyncadd.s32 s5;
	_ =	sdelay $0x1  }
0xa7: {  	s23 =	simm.s32 $0x1B8B  }
0xa8: {  	_ =	swait.ge [sflag:s23], $0x1  }
0xa9: {  	[sflag:s23] =	ssyncset.done $0x0  }
0xaa: {  	s25 =	simm.s32 $0x1B8E;
	s24 =	sld [smem:$0x3FFE];
	[sflag:s23] =	ssyncadd.s32 $0xFFFFFFFF  }
0xab: {  	s26 =	simm.s32 $execute0_lowered;
	[smem:$0x3FD2] =	sst s25  }
0xac: {  	s6 =	sshll.u32 s26, $0x1;
	_ =	strace $0x80000046;
	[dreg:$0x1] =	wrdreg $0xFFFFFFFF  }
0xad: {  	s28 =	simm.s32 $_size_execute0_lowered;
	s4 =	sadd.s32 s4, s6;
	[dreg:$0x0] =	wrdreg $0x0  }
0xae: {  	s6 =	sshll.u32 s28, $0x1;
	[dreg:$0x2] =	wrdreg s4  }
0xaf: {  	[dreg:$0x3] =	wrdreg s6  }
0xb0: {  	[dreg:$0x4] =	wrdreg $0xC0  }
0xb1: {  	_ =	task [dreg:s8], $0x5FFFF  }
0xb2: {  	[dreg:$0x1] =	wrdreg $0xFFFFFFFF  }
0xb3: {  	[dreg:$0x0] =	wrdreg $0x60  }
0xb4: {  	[dreg:$0x2] =	wrdreg s15  }
0xb5: {  	[dreg:$0x3] =	wrdreg s16  }
0xb6: {  	[dreg:$0x4] =	wrdreg s24  }
0xb7: {  	[dreg:$0x5] =	wrdreg $0xC0000  }
0xb8: {  	[dreg:$0x6] =	wrdreg $0x9  }
0xb9: {  	_ =	task.clear_ibuf [dreg:s8], $0x7FFFF;
	_ =	strace $0x90000046  }
0xba: {  	s29 =	simm.s32 $0x9;
	_ =	strace $0x80000048  }
0xbb: {  	_ =	swait.ge [sflag:s29], $0x1  }
0xbc: {  	[sflag:s29] =	ssyncadd.s32 $0xFFFFFFFF  }
0xbd: {  	_ =	strace $0x90000048  }
0xbe: {  	_ =	sfence  }
0xbf: {  	s30 =	sld [smem:$0x0];
	_ =	sdelay $0x2  }
0xc0: {  	s31 =	sshll.u32 s1, $0xD;
	s1 =	sshrl.u32 s1, $0x2  }
0xc1: {  	s3 =	sand.u32 $0x4000, s31;
	s1 =	sadd.s32 s1, s30  }
0xc2: {  	s0 =	sor.u32 s3, s0;
	s1 =	sshll.u32 s1, $0x11  }
0xc3: {  	s0 =	sor.u32 s1, s0  }
0xc4: {  	s0 =	sadd.s32 $0x8F2B, s0  }
0xc5: {  	[sflag:s0] =	ssyncadd.remote.s32 $0x1  }
0xc6: {  	_ =	sfence.sel $0xFFFF  }
0xc7: {  	[dreg:$0x0] =	wrdreg $0xFFFFFFFF;
	(pc) =	sbr.abs _section_cstart, $3  }
0xc8: {  	[dreg:$0x1] =	wrdreg $0xFFFFFFFF  }
0xc9: {  	_ =	task.clear_ibuf [dreg:s8], $0x2FFFF;
	_ =	strace $0x9FFFFFFF  }
0xca: {  	(tm) =	ssettm $0x7FFFFFFF  }
0xcb: {  	_ =	shalt  }
tec
execute0_lowered:
.L_overlay_start_1:
0x0: {  	(tag) =	ssettag $0x1  }
0x1: {  	s7 =	rddreg [dreg:$0x0]  }
0x2: {  	s1 =	rddreg [dreg:$0x1]  }
0x3: {  	s5 =	rddreg [dreg:$0x2];
	s2 =	srdreg.scid  }
0x4: {  	s0 =	stileid.u32;
	s3 =	rddreg [dreg:$0x3];
	s4 =	simm.s32 $0x0  }
0x5: {  	s15 =	simm.s32 $0x14;
	s20 =	simm.s32 $0xA000;
	s21 =	simm.s32 $0x3  }
0x6: {  	s22 =	simm.s32 $0x1;
	s23 =	simm.s32 $0x80;
	s24 =	simm.s32 $0x9F80  }
0x7: {  	s25 =	simm.s32 $0x2;
	s6 =	sand.u32 $0x1, s2;
	s2 =	rddreg [dreg:$0x4]  }
0x8: {  	s26 =	simm.s32 $0x0;
	s8 =	smul.u32 $0x14000, s0;
	[smem:$0x7FF] =	sst s4  }
0x9: {  	s10 =	sshll.u32 s0, $0x1;
	s9 =	smul.u32 $0x140000, s6;
	s11 =	ssub.s32 $0x2, s6  }
0xa: {  	s6 =	sor.u32 s6, s10;
	_ =	strace $0x80000047;
	s31 =	sshrl.u32 s11, $0x1  }
0xb: {  	s12 =	smul.u32 $0xA00, s6;
	p0 =	seq.s32 s6, $0x1F;
	s6 =	sadd.s32 s8, s3  }
0xc: {  	s9 =	sadd.s32 s8, s9;
	s19 =	ssub.s32 s11, s31;
	s8 =	sadd.s32 $0x2000, s6  }
0xd: {  	s10 =	sadd.s32 $0x6000, s6;
	s11 =	sadd.s32 $0x8000, s6;
	s13 =	sadd.s32 $0xC000, s6  }
0xe: {  	s14 =	sadd.s32 $0xE000, s6;
	s16 =	sadd.s32 $0x10000, s6;
	s17 =	sadd.s32 $0x12000, s6  }
0xf: {  	s15 =	simm.s32 @!p0 $0x50;
	s9 =	sshrl.u32 s9, $0x3;
	s19 =	smax.u32 s19, $0x1  }
0x10: {  	s18 =	sadd.s32 s9, s5;
	s5 =	sadd.s32 s7, s12;
	s7 =	sadd.s32 $0x13600, s7  }
0x11: {  	v0 =	vimm.f32 $1.000000000e+00;
	v1 =	vimm.f32 $0.0e+00;
	s9 =	sadd.s32 $0x4000, s6;
	s12 =	sadd.s32 $0xA000, s6;
	s18 =	sadd.s32 $0x600, s18  }
.LBB2_1:
0x12: {  	[tilespmem:s4], [sflag:$0x1] =	stream.linear.gather [hbm4b:s1+s4], $0x2780, $0x38;
	v63 =	vld [tilespmem:$0x0]  }
0x13: {  	s28 =	simm.s32 @p0 $0x0;
	s29 =	simm.s32 @p0 $0x2780  }
0x14: {  	[tilespmem:s29], [sflag:$0x3] =	stream.linear.gather @p0 [hbm4b:s7+s28], $0x1400, $0x38;
	v63 =	vld [tilespmem:$0x0]  }
0x15: {  	s28 =	simm.s32 @p0 $0x3  }
0x16: {  	_ =	swait.ge @p0 [sflag:s28], $0x1400  }
0x17: {  	[sflag:s28] =	ssyncset.done @p0 $0x0  }
0x18: {  	s29 =	simm.s32 @!p0 $0x2780;
	[sflag:s28] =	ssyncadd.s32 @p0 $0xFFFFEC00;
	s28 =	simm.s32 @!p0 $0x0  }
0x19: {  	[tilespmem:s29], [sflag:$0x3] =	stream.linear.gather @!p0 [hbm4b:s5+s28], $0x5000, $0x38;
	v63 =	vld [tilespmem:$0x0]  }
0x1a: {  	s28 =	simm.s32 @!p0 $0x3  }
0x1b: {  	_ =	swait.ge @!p0 [sflag:s28], $0x5000  }
0x1c: {  	[sflag:s28] =	ssyncset.done @!p0 $0x0  }
0x1d: {  	[sflag:s28] =	ssyncadd.s32 @!p0 $0xFFFFB000  }
0x1e: {  	[tilespmem:$0x9F80] =	vst v0  }
0x1f: {  	[tilespmem:$0x9F90] =	vst v0  }
0x20: {  	[tilespmem:$0x9FA0] =	vst v0  }
0x21: {  	[tilespmem:$0x9FB0] =	vst v0  }
0x22: {  	[tilespmem:$0x9FC0] =	vst v0  }
0x23: {  	[tilespmem:$0x9FD0] =	vst v0  }
0x24: {  	[tilespmem:$0x9FE0] =	vst v0  }
0x25: {  	s29 =	simm.s32 $0x0;
	s28 =	simm.s32 $0x40;
	[tilespmem:$0x9FF0] =	vst v0  }
.LBB2_2:
0x26: {  	p1 =	sne.s32 s28, $0x7FC0;
	[tilespmem:s29+$0xA000] =	vst v1;
	s29 =	smov.u32 s28;
	s28 =	sadd.s32 $0x40, s28  }
.Ltmp0:
0x27: {  	(pc) =	sbr.rel @p1 .LBB2_2-.Ltmp0, $2  }
0x28: {  	_ =	sdelay $0x2  }
0x29: {  	s29 =	sshra.s32 s29, $0x2  }
0x2a: {  	[tilespmem:s29+$0xA000] =	vst v1  }
0x2b: {  	[spmem:s6] =	stream.linear.scatter [tilespmem:s20], [sflag:$0x3], $0x2000, $0x38;
	v63 =	vld [tilespmem:$0x0]  }
0x2c: {  	_ =	swait.ge [sflag:s21], $0x2000  }
0x2d: {  	[sflag:s21] =	ssyncset.done $0x0  }
0x2e: {  	[sflag:s21] =	ssyncadd.s32 $0xFFFFE000  }
0x2f: {  	[spmem:s8] =	stream.linear.scatter [tilespmem:s20], [sflag:$0x3], $0x2000, $0x38;
	v63 =	vld [tilespmem:$0x0]  }
0x30: {  	_ =	swait.ge [sflag:s21], $0x2000  }
0x31: {  	[sflag:s21] =	ssyncset.done $0x0  }
0x32: {  	[sflag:s21] =	ssyncadd.s32 $0xFFFFE000  }
0x33: {  	[spmem:s9] =	stream.linear.scatter [tilespmem:s20], [sflag:$0x3], $0x2000, $0x38;
	v63 =	vld [tilespmem:$0x0]  }
0x34: {  	_ =	swait.ge [sflag:s21], $0x2000  }
0x35: {  	[sflag:s21] =	ssyncset.done $0x0  }
0x36: {  	[sflag:s21] =	ssyncadd.s32 $0xFFFFE000  }
0x37: {  	[spmem:s10] =	stream.linear.scatter [tilespmem:s20], [sflag:$0x3], $0x2000, $0x38;
	v63 =	vld [tilespmem:$0x0]  }
0x38: {  	_ =	swait.ge [sflag:s21], $0x2000  }
0x39: {  	[sflag:s21] =	ssyncset.done $0x0  }
0x3a: {  	[sflag:s21] =	ssyncadd.s32 $0xFFFFE000  }
0x3b: {  	[spmem:s11] =	stream.linear.scatter [tilespmem:s20], [sflag:$0x3], $0x2000, $0x38;
	v63 =	vld [tilespmem:$0x0]  }
0x3c: {  	_ =	swait.ge [sflag:s21], $0x2000  }
0x3d: {  	[sflag:s21] =	ssyncset.done $0x0  }
0x3e: {  	[sflag:s21] =	ssyncadd.s32 $0xFFFFE000  }
0x3f: {  	[spmem:s12] =	stream.linear.scatter [tilespmem:s20], [sflag:$0x3], $0x2000, $0x38;
	v63 =	vld [tilespmem:$0x0]  }
0x40: {  	_ =	swait.ge [sflag:s21], $0x2000  }
0x41: {  	[sflag:s21] =	ssyncset.done $0x0  }
0x42: {  	[sflag:s21] =	ssyncadd.s32 $0xFFFFE000  }
0x43: {  	[spmem:s13] =	stream.linear.scatter [tilespmem:s20], [sflag:$0x3], $0x2000, $0x38;
	v63 =	vld [tilespmem:$0x0]  }
0x44: {  	_ =	swait.ge [sflag:s21], $0x2000  }
0x45: {  	[sflag:s21] =	ssyncset.done $0x0  }
0x46: {  	[sflag:s21] =	ssyncadd.s32 $0xFFFFE000  }
0x47: {  	[spmem:s14] =	stream.linear.scatter [tilespmem:s20], [sflag:$0x3], $0x2000, $0x38;
	v63 =	vld [tilespmem:$0x0]  }
0x48: {  	_ =	swait.ge [sflag:s21], $0x2000  }
0x49: {  	[sflag:s21] =	ssyncset.done $0x0  }
0x4a: {  	[sflag:s21] =	ssyncadd.s32 $0xFFFFE000  }
0x4b: {  	[spmem:s16] =	stream.linear.scatter [tilespmem:s20], [sflag:$0x3], $0x2000, $0x38;
	v63 =	vld [tilespmem:$0x0]  }
0x4c: {  	_ =	swait.ge [sflag:s21], $0x2000  }
0x4d: {  	[sflag:s21] =	ssyncset.done $0x0  }
0x4e: {  	[sflag:s21] =	ssyncadd.s32 $0xFFFFE000  }
0x4f: {  	[spmem:s17] =	stream.linear.scatter [tilespmem:s20], [sflag:$0x3], $0x2000, $0x38;
	v63 =	vld [tilespmem:$0x0]  }
0x50: {  	_ =	swait.ge [sflag:s21], $0x2000  }
0x51: {  	[sflag:s21] =	ssyncset.done $0x0  }
0x52: {  	[sflag:s21] =	ssyncadd.s32 $0xFFFFE000  }
0x53: {  	[bflag:$0x0] =	sbarrier.arrive $0xFFFF  }
0x54: {  	_ =	swait.ge [sflag:s22], $0x2780  }
0x55: {  	s28 =	simm.s32 $0x7780;
	[sflag:s22] =	ssyncset.done $0x0  }
0x56: {  	s29 =	simm.s32 $0x2800;
	s30 =	smov.u32 s15;
	[sflag:s22] =	ssyncadd.s32 $0xFFFFD880  }
.LBB2_4:
0x57: {  	v2 =	vld [tilespmem:s29+$0xFFFFFF80];
	_ =	sdelay $0x6  }
0x58: {  	v3 =	vld [tilespmem:s29+$0x0]  }
0x59: {  	v2 =	vld.idx.msk [tilespmem:v2+s4+$0x0], $0xffff;
	_ =	sdelay $0x3  }
0x5a: {  	v3 =	vshll.u32 v3, $0x7  }
0x5b: {  	v2 =	vadd.s32 v2, v3  }
0x5c: {  	[tilespmem:s28+$0x0] =	vst v2  }
0x5d: {  	v2 =	vld [tilespmem:s29+$0xFFFFFF90];
	_ =	sdelay $0x6  }
0x5e: {  	v3 =	vld [tilespmem:s29+$0x10]  }
0x5f: {  	v2 =	vld.idx.msk [tilespmem:v2+s4+$0x0], $0xffff;
	_ =	sdelay $0x3  }
0x60: {  	v3 =	vshll.u32 v3, $0x7  }
0x61: {  	v2 =	vadd.s32 v2, v3  }
0x62: {  	[tilespmem:s28+$0x10] =	vst v2  }
0x63: {  	v2 =	vld [tilespmem:s29+$0xFFFFFFA0];
	_ =	sdelay $0x6  }
0x64: {  	v3 =	vld [tilespmem:s29+$0x20]  }
0x65: {  	v2 =	vld.idx.msk [tilespmem:v2+s4+$0x0], $0xffff;
	_ =	sdelay $0x3  }
0x66: {  	v3 =	vshll.u32 v3, $0x7  }
0x67: {  	v2 =	vadd.s32 v2, v3  }
0x68: {  	[tilespmem:s28+$0x20] =	vst v2  }
0x69: {  	v2 =	vld [tilespmem:s29+$0xFFFFFFB0];
	_ =	sdelay $0x6  }
0x6a: {  	v3 =	vld [tilespmem:s29+$0x30]  }
0x6b: {  	v2 =	vld.idx.msk [tilespmem:v2+s4+$0x0], $0xffff;
	_ =	sdelay $0x3  }
0x6c: {  	v3 =	vshll.u32 v3, $0x7  }
0x6d: {  	v2 =	vadd.s32 v2, v3  }
0x6e: {  	[tilespmem:s28+$0x30] =	vst v2  }
0x6f: {  	v2 =	vld [tilespmem:s29+$0xFFFFFFC0];
	_ =	sdelay $0x6  }
0x70: {  	v3 =	vld [tilespmem:s29+$0x40]  }
0x71: {  	v2 =	vld.idx.msk [tilespmem:v2+s4+$0x0], $0xffff;
	_ =	sdelay $0x3  }
0x72: {  	v3 =	vshll.u32 v3, $0x7  }
0x73: {  	v2 =	vadd.s32 v2, v3  }
0x74: {  	[tilespmem:s28+$0x40] =	vst v2  }
0x75: {  	v2 =	vld [tilespmem:s29+$0xFFFFFFD0];
	_ =	sdelay $0x6  }
0x76: {  	v3 =	vld [tilespmem:s29+$0x50]  }
0x77: {  	v2 =	vld.idx.msk [tilespmem:v2+s4+$0x0], $0xffff;
	_ =	sdelay $0x3  }
0x78: {  	v3 =	vshll.u32 v3, $0x7  }
0x79: {  	v2 =	vadd.s32 v2, v3  }
0x7a: {  	[tilespmem:s28+$0x50] =	vst v2  }
0x7b: {  	v2 =	vld [tilespmem:s29+$0xFFFFFFE0];
	_ =	sdelay $0x6  }
0x7c: {  	v3 =	vld [tilespmem:s29+$0x60]  }
0x7d: {  	v2 =	vld.idx.msk [tilespmem:v2+s4+$0x0], $0xffff;
	_ =	sdelay $0x3  }
0x7e: {  	v3 =	vshll.u32 v3, $0x7  }
0x7f: {  	v2 =	vadd.s32 v2, v3  }
0x80: {  	[tilespmem:s28+$0x60] =	vst v2  }
0x81: {  	v2 =	vld [tilespmem:s29+$0xFFFFFFF0];
	_ =	sdelay $0x6  }
0x82: {  	v3 =	vld [tilespmem:s29+$0x70]  }
0x83: {  	v2 =	vld.idx.msk [tilespmem:v2+s4+$0x0], $0xffff;
	_ =	sdelay $0x2  }
0x84: {  	p1 =	sne.s32 s30, $0x1  }
.Ltmp1:
0x85: {  	v3 =	vshll.u32 v3, $0x7;
	(pc) =	sbr.rel @p1 .LBB2_4-.Ltmp1, $4  }
0x86: {  	v2 =	vadd.s32 v2, v3  }
0x87: {  	[tilespmem:s28+$0x70] =	vst v2  }
0x88: {  	[spmem:s3] =	stream.indirect.scatter.add.f32 [tilespmem:s24], [sflag:$0x2], $0x1, s28, s23, $0xb8;
	v63 =	vld [tilespmem:$0x0]  }
0x89: {  	s30 =	sadd.s32 $0xFFFFFFFF, s30;
	s29 =	sadd.s32 $0x100, s29;
	s28 =	sadd.s32 $0x80, s28  }
0x8a: {  	p1 =	sne.s32 s15, $0x1  }
.Ltmp2:
0x8b: {  	_ = 	snop;
	(pc) =	sbr.rel @!p1 .LBB2_7-.Ltmp2, $3  }
0x8c: {  	_ =	sdelay $0x1  }
0x8d: {  	_ =	swait.ge [sflag:s25], $0x80  }
0x8e: {  	s28 =	sadd.s32 $0xFFFFFFFF, s15;
	[sflag:s25] =	ssyncset.done $0x0  }
.LBB2_6:
0x8f: {  	p1 =	sne.s32 s28, $0x1;
	s28 =	sadd.s32 $0xFFFFFFFF, s28;
	[sflag:s25] =	ssyncadd.s32 $0xFFFFFF80  }
.Ltmp3:
0x90: {  	(pc) =	sbr.rel @p1 .LBB2_6-.Ltmp3, $3  }
0x91: {  	_ =	sdelay $0x1  }
0x92: {  	_ =	swait.ge [sflag:s25], $0x80  }
0x93: {  	[sflag:s25] =	ssyncset.done $0x0  }
.LBB2_7:
0x94: {  	[sflag:s25] =	ssyncadd.s32 $0xFFFFFF80;
	s26 =	sadd.s32 $0x1, s26  }
0x95: {  	s28 =	sshll.u32 s0, $0x6;
	s29 =	sshrl.u32 s6, $0x3;
	p1 =	sne.s32 s26, s19  }
.Ltmp4:
0x96: {  	[bflag:$0x0] =	sbarrier.arrive $0xFFFF;
	s28 =	sor.u32 $0x1C03, s28;
	(pc) =	sbr.rel @p1 .LBB2_1-.Ltmp4, $4  }
0x97: {  	[hbm:s18], [sflag:s28] =	dma.local [spmem:s29], $0x2800  }
0x98: {  	_ =	swait.ge [sflag:s21], $0x2800  }
0x99: {  	[sflag:s21] =	ssyncset.done $0x0  }
0x9a: {  	[sflag:s21] =	ssyncadd.s32 $0xFFFFD800  }
0x9b: {  	_ =	sfence.sel $0x180000  }
0x9c: {  	[bflag:$0x0] =	sbarrier.arrive $0xFFFF  }
0x9d: {  	p0 =	sne.s32 s0, $0x0;
	_ =	strace $0x90000047  }
0x9e: {  	s0 =	sadd.s32 @!p0 $0x100000, s2;
	[bflag:$0x2] =	sbarrier.arrive $0xFFFF  }
0x9f: {  	[sflag:s0] =	ssyncadd.tile.s32 @!p0 $0x1;
	_ =	shalt  }
.Lfunc_end2:
_tile_overlayer_lowered:
.L_overlay_start_2:
0xa0: {  	(tag) =	ssettag $0x2  }
0xa1: {  	s0 =	rddreg [dreg:$0x0];
	s2 =	stileid.u32  }
0xa2: {  	s1 =	rddreg [dreg:$0x1];
	p0 =	sne.s32 s2, $0x0  }
0xa3: {  	s3 =	rddreg [dreg:$0x2];
	[bflag:$0x3] =	sbarrier.arrive $0xFFFF;
	s2 =	simm.s32 @!p0 $0x1C03  }
0xa4: {  	[timem:s3], [sflag:s2] =	dma.local @!p0 [hbm:s0], s1  }
0xa5: {  	s0 =	simm.s32 @!p0 $0x3  }
0xa6: {  	_ =	swait.ge @!p0 [sflag:s0], s1  }
0xa7: {  	s1 =	ssub.s32 @!p0 $0x0, s1;
	[sflag:s0] =	ssyncset.done @!p0 $0x0  }
0xa8: {  	[sflag:s0] =	ssyncadd.s32 @!p0 s1  }
0xa9: {  	[bflag:$0x3] =	sbarrier.arrive $0xFFFF  }
0xaa: {  	_ =	shalt  }

</sc_bundles>
